<compile_context>
chip_gen: v7x
topology: tpu7x:2x2x1
jax: 0.10.2.dev20260603
libtpu: 0.0.44.dev20260713+nightly
codegen_flags: <defaults>
</compile_context>

<pallas_src>
import functools
import math

import jax
import jax.numpy as jnp
from jax import lax
from jax.experimental import pallas as pl
from jax.experimental.pallas import tpu as pltpu
from jax.experimental.pallas import tpu_sc as plsc

_N = 100000
_P = 40
_B = 4096
_NC, _NS, _L = 2, 16, 16
_NW = _NC * _NS

_NPOSE = 7 * _P
_NPAR = 6 * _P
_PLANES = _NPOSE + _NPAR + _P + 3
_SLOTS = -(-_PLANES // _NW)

_AZ = 30.0 * math.pi / 180.0
_EL = 10.0 * math.pi / 180.0
_CR = 10.0 * math.pi / 180.0


@functools.partial(
    pl.kernel,
    out_type=(
        jax.ShapeDtypeStruct((7, _P, _B), jnp.float32),
        jax.ShapeDtypeStruct((6, _P, _B), jnp.float32),
        jax.ShapeDtypeStruct((_P, _B), jnp.float32),
        jax.ShapeDtypeStruct((3, _B), jnp.float32),
    ),
    mesh=plsc.VectorSubcoreMesh(core_axis_name="c", subcore_axis_name="s"),
    scratch_types=[
        pltpu.VMEM((_B,), jnp.int32),
        pltpu.VMEM((_N,), jnp.float32),
        pltpu.VMEM((_B,), jnp.float32),
        pltpu.SemaphoreType.DMA,
    ],
    compiler_params=pltpu.CompilerParams(
        needs_layout_passes=False, use_tc_tiling_on_sc=True),
)
def _sc_gather(fi_hbm, posesT, paramsT, scoresT, gt1T,
               pose_g, par_g, sco_g, gt1_g,
               idx_v, plane_v, out_v, sem):
    wid = lax.axis_index("s") * _NC + lax.axis_index("c")
    pltpu.sync_copy(fi_hbm, idx_v)
    iota = lax.iota(jnp.int32, _L)

    def fetch_plane(src):
        pltpu.sync_copy(src, plane_v)

    def gather_plane():
        @plsc.parallel_loop(0, _B, _L, unroll=16)
        def _(i):
            fidx = idx_v[pl.ds(i, _L)]
            out_v[pl.ds(i, _L)] = plsc.load_gather(plane_v, [fidx])

    def round_body(j, carry):
        pid = wid + _NW * j

        @pl.when(pid < _NPOSE)
        def _():
            c = pid // _P
            p = pid - c * _P
            fetch_plane(posesT.at[c, p])
            gather_plane()
            pltpu.sync_copy(out_v, pose_g.at[c, p])

        @pl.when(jnp.logical_and(pid >= _NPOSE, pid < _NPOSE + _NPAR))
        def _():
            q = pid - _NPOSE
            c = q // _P
            p = q - c * _P
            fetch_plane(paramsT.at[c, p])
            gather_plane()
            pltpu.sync_copy(out_v, par_g.at[c, p])

        @pl.when(jnp.logical_and(pid >= _NPOSE + _NPAR,
                                 pid < _NPOSE + _NPAR + _P))
        def _():
            p = pid - (_NPOSE + _NPAR)
            fetch_plane(scoresT.at[p])
            gather_plane()
            pltpu.sync_copy(out_v, sco_g.at[p])

        @pl.when(pid >= _NPOSE + _NPAR + _P)
        def _():
            c = jnp.minimum(pid - (_NPOSE + _NPAR + _P), 2)
            fetch_plane(gt1T.at[c])
            gather_plane()
            pltpu.sync_copy(out_v, gt1_g.at[c])

        return carry

    lax.fori_loop(0, _SLOTS, round_body, jnp.int32(0))


def _tc_math(pg, qg, g1, g0, out):
    sf = g0[0:1] / g1[0:1]
    c1 = g0[1:2] - g1[1:2] * sf
    c2 = g0[2:3] - g1[2:3] * sf

    scale = (pg[0] + qg[0]) * sf
    tr1 = (pg[1] + qg[1]) * sf + c1
    tr2 = (pg[2] + qg[2]) * sf + c2

    ha = jnp.tanh(qg[3]) * (_AZ * 0.5)
    he = jnp.tanh(qg[4]) * (_EL * 0.5)
    hc = jnp.tanh(qg[5]) * (_CR * 0.5)
    sa, ca = jnp.sin(ha), jnp.cos(ha)
    se, ce = jnp.sin(he), jnp.cos(he)
    sc, cc = jnp.sin(hc), jnp.cos(hc)
    mw = ce * cc
    mx = se * cc
    my = -(se * sc)
    mz = ce * sc
    dw = ca * mw - sa * my
    dx = ca * mx + sa * mz
    dy = ca * my + sa * mw
    dz = ca * mz - sa * mx
    q0, q1, q2, q3 = pg[3], pg[4], pg[5], pg[6]
    out[0] = scale
    out[1] = tr1
    out[2] = tr2
    out[3] = q0 * dw - q1 * dx - q2 * dy - q3 * dz
    out[4] = q0 * dx + q1 * dw + q2 * dz - q3 * dy
    out[5] = q0 * dy - q1 * dz + q2 * dw + q3 * dx
    out[6] = q0 * dz + q1 * dy - q2 * dx + q3 * dw


def kernel(frame_ids, gt_st0, dataset_camera_poses, dataset_camera_scores,
           dataset_camera_gt_st, dataset_camera_params):
    fi = frame_ids.reshape(_B).astype(jnp.int32)
    posesT = jnp.transpose(dataset_camera_poses, (2, 1, 0))
    paramsT = jnp.transpose(dataset_camera_params, (2, 1, 0))
    scoresT = jnp.transpose(dataset_camera_scores, (1, 0))
    gt1T = jnp.transpose(dataset_camera_gt_st, (1, 0))
    gt0T = jnp.transpose(gt_st0, (1, 0))

    pose_g, par_g, sco_g, gt1_g = _sc_gather(
        fi, posesT, paramsT, scoresT, gt1T)

    out_poseT = pl.pallas_call(
        _tc_math,
        out_shape=jax.ShapeDtypeStruct((7, _P, _B), jnp.float32),
    )(pose_g, par_g, gt1_g, gt0T)

    return (jnp.transpose(out_poseT, (2, 1, 0)),
            jnp.transpose(sco_g, (1, 0)))

# --- scband reference (transcript-rebuilt; emitter-appended) ---
"""Pipeline reference for scband-camera-multiplex-37890201486024 (READ-ONLY COPY).

The authoritative reference and input builder live on the scoring server;
editing this copy changes nothing except your own understanding.
"""

import jax, jax.numpy as jnp
import numpy as np

DATASET_SIZE = 100000
P = 40
B = 4096
AZ_RANGE = 30.0
EL_RANGE = 10.0
CR_RANGE = 10.0


def hamilton_product(q1, q2):
    w1, x1, y1, z1 = q1[..., 0], q1[..., 1], q1[..., 2], q1[..., 3]
    w2, x2, y2, z2 = q2[..., 0], q2[..., 1], q2[..., 2], q2[..., 3]
    return jnp.stack([
        w1 * w2 - x1 * x2 - y1 * y2 - z1 * z2,
        w1 * x2 + x1 * w2 + y1 * z2 - z1 * y2,
        w1 * y2 - x1 * z2 + y1 * w2 + z1 * x2,
        w1 * z2 + x1 * y2 - y1 * x2 + z1 * w2,
    ], axis=-1)


def axisangle_quat(angle, axis):
    half = angle * 0.5
    w = jnp.cos(half)[..., None]
    xyz = jnp.sin(half)[..., None] * axis
    return jnp.concatenate([w, xyz], axis=-1)


def euler_rot2quat(p, azOR, elOR, crOR, base_quat):
    # EulerQuat.tranform: bounded az/el/cr offsets converted to a delta quaternion,
    # composed with the base quaternion (_convert=True).
    az = jnp.tanh(p[..., 0]) * (azOR * np.pi / 180.0)
    el = jnp.tanh(p[..., 1]) * (elOR * np.pi / 180.0)
    cr = jnp.tanh(p[..., 2]) * (crOR * np.pi / 180.0)
    q_az = axisangle_quat(az, jnp.array([0.0, 1.0, 0.0], dtype=p.dtype))
    q_el = axisangle_quat(el, jnp.array([1.0, 0.0, 0.0], dtype=p.dtype))
    q_cr = axisangle_quat(cr, jnp.array([0.0, 0.0, 1.0], dtype=p.dtype))
    dq = hamilton_product(q_az, hamilton_product(q_el, q_cr))
    return hamilton_product(base_quat, dq)


def reflect_cam_pose(pose):
    return pose * jnp.array([1.0, -1.0, 1.0, 1.0, 1.0, -1.0, -1.0], dtype=pose.dtype)


def setup_inputs(seed: int = 0):
    key = jax.random.key(seed)
    ks = jax.random.split(key, 9)
    frame_ids = jax.random.randint(ks[0], (B, 1), 0, DATASET_SIZE)
    gt_st0 = jax.random.uniform(ks[1], (B, 3), dtype=jnp.float32)
    scale_p = jax.random.uniform(ks[2], (DATASET_SIZE, P, 1), dtype=jnp.float32) + 0.5
    trans_p = jax.random.normal(ks[3], (DATASET_SIZE, P, 2), dtype=jnp.float32) * 0.1
    quat_p = jax.random.normal(ks[4], (DATASET_SIZE, P, 4), dtype=jnp.float32)
    quat_p = quat_p / jnp.linalg.norm(quat_p, axis=-1, keepdims=True)
    dataset_camera_poses = jnp.concatenate([scale_p, trans_p, quat_p], axis=-1)
    dataset_camera_scores = jax.nn.softmax(jax.random.normal(ks[5], (DATASET_SIZE, P), dtype=jnp.float32), axis=-1)
    gt_scale = jax.random.uniform(ks[6], (DATASET_SIZE, 1), dtype=jnp.float32) + 0.5
    gt_trans = jax.random.normal(ks[7], (DATASET_SIZE, 2), dtype=jnp.float32) * 0.1
    dataset_camera_gt_st = jnp.concatenate([gt_scale, gt_trans], axis=-1)
    dataset_camera_params = jax.random.normal(ks[8], (DATASET_SIZE, P, 6), dtype=jnp.float32) * 0.01
    return {
        'frame_ids': frame_ids,
        'gt_st0': gt_st0,
        'dataset_camera_poses': dataset_camera_poses,
        'dataset_camera_scores': dataset_camera_scores,
        'dataset_camera_gt_st': dataset_camera_gt_st,
        'dataset_camera_params': dataset_camera_params,
    }


def reference(frame_ids, gt_st0, dataset_camera_poses, dataset_camera_scores, dataset_camera_gt_st, dataset_camera_params):
    fi = frame_ids.squeeze(1)
    fi_orig = jnp.minimum(fi, 1000000 - fi)
    poses = jnp.take(dataset_camera_poses, fi_orig, axis=0)
    scores = jnp.take(dataset_camera_scores, fi_orig, axis=0)
    gt_st1 = jnp.take(dataset_camera_gt_st, fi_orig, axis=0)
    params = jnp.take(dataset_camera_params, fi_orig, axis=0)
    flipped = fi > fi_orig
    flip_tensor = jnp.array([1.0, -1.0, 1.0], dtype=gt_st0.dtype)
    gt_st0 = jnp.where(flipped[:, None], gt_st0 * flip_tensor, gt_st0)
    scale_factor = gt_st0[:, None, 0:1] / gt_st1[:, None, 0:1]
    base_scale = poses[:, :, 0:1] * scale_factor
    base_trans = (poses[:, :, 1:3] - gt_st1[:, None, 1:3]) * scale_factor + gt_st0[:, None, 1:3]
    base_quat = poses[:, :, 3:7]
    scale = base_scale + params[:, :, 0:1] * scale_factor
    trans = base_trans + params[:, :, 1:3] * scale_factor
    quat = euler_rot2quat(params[:, :, 3:6], AZ_RANGE, EL_RANGE, CR_RANGE, base_quat)
    camera_pose = jnp.concatenate([scale, trans, quat], axis=-1)
    camera_pose_fin = jnp.where(flipped[:, None, None], reflect_cam_pose(camera_pose), camera_pose)
    return camera_pose_fin, scores


if False:  # reference __main__ guard neutralized (emitter)
    out = reference(**setup_inputs())
    print(out[0].shape, out[1].shape)

if __name__ == "__main__":
    import jax
    _d = setup_inputs()
    print(jax.jit(kernel)(*tuple(_d.values())))

</pallas_src>

<mosaic_0001>
#map = affine_map<(d0, d1) -> (0)>
#map1 = affine_map<(d0, d1) -> (0, 0, 0)>
#map2 = affine_map<(d0, d1) -> (0, 0)>
module attributes {stable_mosaic.version = 14 : i64} {
  func.func @_sc_gather(%arg0: i32, %arg1: i32, %arg2: memref<4096xi32, #tpu.memory_space<hbm>>, %arg3: memref<7x40x100000xf32, #tpu.memory_space<hbm>>, %arg4: memref<6x40x100000xf32, #tpu.memory_space<hbm>>, %arg5: memref<40x100000xf32, #tpu.memory_space<hbm>>, %arg6: memref<3x100000xf32, #tpu.memory_space<hbm>>, %arg7: memref<7x40x4096xf32, #tpu.memory_space<hbm>>, %arg8: memref<6x40x4096xf32, #tpu.memory_space<hbm>>, %arg9: memref<40x4096xf32, #tpu.memory_space<hbm>>, %arg10: memref<3x4096xf32, #tpu.memory_space<hbm>>, %arg11: memref<4096xi32, #tpu.memory_space<vmem>>, %arg12: memref<100000xf32, #tpu.memory_space<vmem>>, %arg13: memref<4096xf32, #tpu.memory_space<vmem>>, %arg14: memref<!tpu.dma_semaphore, #tpu.memory_space<semaphore_mem>>) attributes {dimension_semantics = [#tpu.dimension_semantics<core_parallel>, #tpu.dimension_semantics<subcore_parallel>], iteration_bounds = array<i64: 2, 16>, scalar_prefetch = 0 : i64, scratch_operands = 4 : i64, tpu.core_type = #tpu.core_type<sc_vector_subcore>, window_params = [{transform_indices = #map}, {transform_indices = #map1}, {transform_indices = #map1}, {transform_indices = #map2}, {transform_indices = #map2}, {transform_indices = #map1}, {transform_indices = #map1}, {transform_indices = #map2}, {transform_indices = #map2}]} {
    %mul3A = arith.constant 2 : i32
    %mul3A_0 = arith.muli %arg1, %mul3A : i32
    %add3A = arith.addi %mul3A_0, %arg0 : i32
    "tpu.region"() ({
      %run_scoped3A = tpu.sem_alloc : memref<!tpu.dma_semaphore, #tpu.memory_space<semaphore_mem>>
      tpu.enqueue_dma source(%arg2 : memref<4096xi32, #tpu.memory_space<hbm>>) target(%arg11 : memref<4096xi32, #tpu.memory_space<vmem>>) target_semaphore(%run_scoped3A : memref<!tpu.dma_semaphore, #tpu.memory_space<semaphore_mem>>)
      tpu.wait_dma2 semaphore(%run_scoped3A : memref<!tpu.dma_semaphore, #tpu.memory_space<semaphore_mem>>) src(%arg2 : memref<4096xi32, #tpu.memory_space<hbm>>) dst(%arg11 : memref<4096xi32, #tpu.memory_space<vmem>>)
      tpu.yield
    }) : () -> ()
    %iota3A = tpu.iota {dimensions = array<i32: 0>} : vector<16xi32>
    %scan3A = arith.constant 0 : i32
    %scan3A_1 = arith.constant 0 : i32
    %scan3A_2 = arith.constant 18 : i32
    %scan3A_3 = arith.addi %scan3A_1, %scan3A_2 : i32
    %scan3A_4 = arith.constant 1 : i32
    scf.for %scan3A_6 = %scan3A_1 to %scan3A_3 step %scan3A_4  : i32 {
      %mul3A_7 = arith.constant 32 : i32
      %mul3A_8 = arith.muli %mul3A_7, %scan3A_6 : i32
      %add3A_9 = arith.addi %add3A, %mul3A_8 : i32
      %lt3A = arith.constant 280 : i32
      %lt3A_10 = arith.cmpi slt, %add3A_9, %lt3A : i32
      %convert_element_type3A = arith.extui %lt3A_10 : i1 to i32
      %cond3A = arith.constant 0 : i32
      %cond3A_11 = arith.cmpi ne, %convert_element_type3A, %cond3A : i32
      scf.if %cond3A_11 {
        %jit3A = arith.constant 40 : i32
        %div3A = arith.divsi %add3A_9, %jit3A : i32
        %sign3A = arith.constant 0 : i32
        %sign3A_31 = arith.cmpi sgt, %add3A_9, %sign3A : i32
        %sign3A_32 = arith.extui %sign3A_31 : i1 to i32
        %sign3A_33 = arith.constant 0 : i32
        %sign3A_34 = arith.cmpi slt, %add3A_9, %sign3A_33 : i32
        %sign3A_35 = arith.extui %sign3A_34 : i1 to i32
        %sign3A_36 = arith.subi %sign3A_32, %sign3A_35 : i32
        %sign3A_37 = arith.constant 0 : i32
        %sign3A_38 = arith.cmpi sgt, %jit3A, %sign3A_37 : i32
        %sign3A_39 = arith.extui %sign3A_38 : i1 to i32
        %sign3A_40 = arith.constant 0 : i32
        %sign3A_41 = arith.cmpi slt, %jit3A, %sign3A_40 : i32
        %sign3A_42 = arith.extui %sign3A_41 : i1 to i32
        %sign3A_43 = arith.subi %sign3A_39, %sign3A_42 : i32
        %ne3A = arith.cmpi ne, %sign3A_36, %sign3A_43 : i32
        %rem3A = arith.remsi %add3A_9, %jit3A : i32
        %ne3A_44 = arith.constant 0 : i32
        %ne3A_45 = arith.cmpi ne, %rem3A, %ne3A_44 : i32
        %and3A_46 = arith.andi %ne3A, %ne3A_45 : i1
        %sub3A = arith.constant 1 : i32
        %sub3A_47 = arith.subi %div3A, %sub3A : i32
        %select_n3A = arith.select %and3A_46, %sub3A_47, %div3A : i32
        %mul3A_48 = arith.constant 40 : i32
        %mul3A_49 = arith.muli %select_n3A, %mul3A_48 : i32
        %sub3A_50 = arith.subi %add3A_9, %mul3A_49 : i32
        "tpu.region"() ({
          %run_scoped3A = tpu.sem_alloc : memref<!tpu.dma_semaphore, #tpu.memory_space<semaphore_mem>>
          %dma_start3A = arith.constant 0 : i32
          %dma_start3A_53 = tpu.memref_slice %arg3[%select_n3A, %sub3A_50, %dma_start3A] : memref<7x40x100000xf32, #tpu.memory_space<hbm>> -> memref<1x1x100000xf32, #tpu.memory_space<hbm>>
          %dma_start3A_54 = tpu.memref_squeeze %dma_start3A_53 : memref<1x1x100000xf32, #tpu.memory_space<hbm>> -> memref<100000xf32, #tpu.memory_space<hbm>>
          %dma_start3A_55 = arith.constant 0 : i32
          %dma_start3A_56 = tpu.memref_slice %arg3[%select_n3A, %sub3A_50, %dma_start3A_55] : memref<7x40x100000xf32, #tpu.memory_space<hbm>> -> memref<1x1x100000xf32, #tpu.memory_space<hbm>>
          %dma_start3A_57 = tpu.memref_squeeze %dma_start3A_56 : memref<1x1x100000xf32, #tpu.memory_space<hbm>> -> memref<100000xf32, #tpu.memory_space<hbm>>
          tpu.enqueue_dma source(%dma_start3A_57 : memref<100000xf32, #tpu.memory_space<hbm>>) target(%arg12 : memref<100000xf32, #tpu.memory_space<vmem>>) target_semaphore(%run_scoped3A : memref<!tpu.dma_semaphore, #tpu.memory_space<semaphore_mem>>)
          %dma_wait3A = arith.constant 0 : i32
          %dma_wait3A_58 = tpu.memref_slice %arg3[%select_n3A, %sub3A_50, %dma_wait3A] : memref<7x40x100000xf32, #tpu.memory_space<hbm>> -> memref<1x1x100000xf32, #tpu.memory_space<hbm>>
          %dma_wait3A_59 = tpu.memref_squeeze %dma_wait3A_58 : memref<1x1x100000xf32, #tpu.memory_space<hbm>> -> memref<100000xf32, #tpu.memory_space<hbm>>
          %dma_wait3A_60 = arith.constant 0 : i32
          %dma_wait3A_61 = tpu.memref_slice %arg3[%select_n3A, %sub3A_50, %dma_wait3A_60] : memref<7x40x100000xf32, #tpu.memory_space<hbm>> -> memref<1x1x100000xf32, #tpu.memory_space<hbm>>
          %dma_wait3A_62 = tpu.memref_squeeze %dma_wait3A_61 : memref<1x1x100000xf32, #tpu.memory_space<hbm>> -> memref<100000xf32, #tpu.memory_space<hbm>>
          tpu.wait_dma2 semaphore(%run_scoped3A : memref<!tpu.dma_semaphore, #tpu.memory_space<semaphore_mem>>) src(%dma_wait3A_62 : memref<100000xf32, #tpu.memory_space<hbm>>) dst(%arg12 : memref<100000xf32, #tpu.memory_space<vmem>>)
          tpu.yield
        }) : () -> ()
        %parallel_loop3A = arith.constant 0 : i32
        %parallel_loop3A_51 = arith.constant 4096 : i32
        %parallel_loop3A_52 = arith.constant 16 : i32
        scf.for %parallel_loop3A_53 = %parallel_loop3A to %parallel_loop3A_51 step %parallel_loop3A_52  : i32 {
          %parallel_loop3A_54 = arith.index_cast %parallel_loop3A_53 : i32 to index
          %parallel_loop3A_55 = tpu.vector_load %arg11[%parallel_loop3A_54] {strides = array<i32>} : memref<4096xi32, #tpu.memory_space<vmem>>, vector<16xi32>,
          %parallel_loop3A_56 = tpu.vector_load_idx %arg12[%parallel_loop3A_55] : memref<100000xf32, #tpu.memory_space<vmem>>[vector<16xi32>], vector<16xf32>,
          %parallel_loop3A_57 = arith.index_cast %parallel_loop3A_53 : i32 to index
          %parallel_loop3A_58 = tpu.vector_load %arg13[%parallel_loop3A_57] {strides = array<i32>} : memref<4096xf32, #tpu.memory_space<vmem>>, vector<16xf32>,
          tpu.vector_store %arg13[%parallel_loop3A_57], %parallel_loop3A_56 {strides = array<i32>} : memref<4096xf32, #tpu.memory_space<vmem>>, vector<16xf32>,
        } {sc.loop_unroll_factor = 16 : i64, sc.parallel_access}
        "tpu.region"() ({
          %run_scoped3A = tpu.sem_alloc : memref<!tpu.dma_semaphore, #tpu.memory_space<semaphore_mem>>
          %dma_start3A = arith.constant 0 : i32
          %dma_start3A_53 = tpu.memref_slice %arg7[%select_n3A, %sub3A_50, %dma_start3A] : memref<7x40x4096xf32, #tpu.memory_space<hbm>> -> memref<1x1x4096xf32, #tpu.memory_space<hbm>>
          %dma_start3A_54 = tpu.memref_squeeze %dma_start3A_53 : memref<1x1x4096xf32, #tpu.memory_space<hbm>> -> memref<4096xf32, #tpu.memory_space<hbm>>
          %dma_start3A_55 = arith.constant 0 : i32
          %dma_start3A_56 = tpu.memref_slice %arg7[%select_n3A, %sub3A_50, %dma_start3A_55] : memref<7x40x4096xf32, #tpu.memory_space<hbm>> -> memref<1x1x4096xf32, #tpu.memory_space<hbm>>
          %dma_start3A_57 = tpu.memref_squeeze %dma_start3A_56 : memref<1x1x4096xf32, #tpu.memory_space<hbm>> -> memref<4096xf32, #tpu.memory_space<hbm>>
          tpu.enqueue_dma source(%arg13 : memref<4096xf32, #tpu.memory_space<vmem>>) target(%dma_start3A_57 : memref<4096xf32, #tpu.memory_space<hbm>>) target_semaphore(%run_scoped3A : memref<!tpu.dma_semaphore, #tpu.memory_space<semaphore_mem>>)
          %dma_wait3A = arith.constant 0 : i32
          %dma_wait3A_58 = tpu.memref_slice %arg7[%select_n3A, %sub3A_50, %dma_wait3A] : memref<7x40x4096xf32, #tpu.memory_space<hbm>> -> memref<1x1x4096xf32, #tpu.memory_space<hbm>>
          %dma_wait3A_59 = tpu.memref_squeeze %dma_wait3A_58 : memref<1x1x4096xf32, #tpu.memory_space<hbm>> -> memref<4096xf32, #tpu.memory_space<hbm>>
          %dma_wait3A_60 = arith.constant 0 : i32
          %dma_wait3A_61 = tpu.memref_slice %arg7[%select_n3A, %sub3A_50, %dma_wait3A_60] : memref<7x40x4096xf32, #tpu.memory_space<hbm>> -> memref<1x1x4096xf32, #tpu.memory_space<hbm>>
          %dma_wait3A_62 = tpu.memref_squeeze %dma_wait3A_61 : memref<1x1x4096xf32, #tpu.memory_space<hbm>> -> memref<4096xf32, #tpu.memory_space<hbm>>
          tpu.wait_dma2 semaphore(%run_scoped3A : memref<!tpu.dma_semaphore, #tpu.memory_space<semaphore_mem>>) src(%arg13 : memref<4096xf32, #tpu.memory_space<vmem>>) dst(%dma_wait3A_62 : memref<4096xf32, #tpu.memory_space<hbm>>)
          tpu.yield
        }) : () -> ()
      } else {
      }
      %ge3A = arith.constant 280 : i32
      %ge3A_12 = arith.cmpi sge, %add3A_9, %ge3A : i32
      %lt3A_13 = arith.constant 520 : i32
      %lt3A_14 = arith.cmpi slt, %add3A_9, %lt3A_13 : i32
      %and3A = arith.andi %ge3A_12, %lt3A_14 : i1
      %convert_element_type3A_15 = arith.extui %and3A : i1 to i32
      %cond3A_16 = arith.constant 0 : i32
      %cond3A_17 = arith.cmpi ne, %convert_element_type3A_15, %cond3A_16 : i32
      scf.if %cond3A_17 {
        %sub3A = arith.constant 280 : i32
        %sub3A_31 = arith.subi %add3A_9, %sub3A : i32
        %jit3A = arith.constant 40 : i32
        %div3A = arith.divsi %sub3A_31, %jit3A : i32
        %sign3A = arith.constant 0 : i32
        %sign3A_32 = arith.cmpi sgt, %sub3A_31, %sign3A : i32
        %sign3A_33 = arith.extui %sign3A_32 : i1 to i32
        %sign3A_34 = arith.constant 0 : i32
        %sign3A_35 = arith.cmpi slt, %sub3A_31, %sign3A_34 : i32
        %sign3A_36 = arith.extui %sign3A_35 : i1 to i32
        %sign3A_37 = arith.subi %sign3A_33, %sign3A_36 : i32
        %sign3A_38 = arith.constant 0 : i32
        %sign3A_39 = arith.cmpi sgt, %jit3A, %sign3A_38 : i32
        %sign3A_40 = arith.extui %sign3A_39 : i1 to i32
        %sign3A_41 = arith.constant 0 : i32
        %sign3A_42 = arith.cmpi slt, %jit3A, %sign3A_41 : i32
        %sign3A_43 = arith.extui %sign3A_42 : i1 to i32
        %sign3A_44 = arith.subi %sign3A_40, %sign3A_43 : i32
        %ne3A = arith.cmpi ne, %sign3A_37, %sign3A_44 : i32
        %rem3A = arith.remsi %sub3A_31, %jit3A : i32
        %ne3A_45 = arith.constant 0 : i32
        %ne3A_46 = arith.cmpi ne, %rem3A, %ne3A_45 : i32
        %and3A_47 = arith.andi %ne3A, %ne3A_46 : i1
        %sub3A_48 = arith.constant 1 : i32
        %sub3A_49 = arith.subi %div3A, %sub3A_48 : i32
        %select_n3A = arith.select %and3A_47, %sub3A_49, %div3A : i32
        %mul3A_50 = arith.constant 40 : i32
        %mul3A_51 = arith.muli %select_n3A, %mul3A_50 : i32
        %sub3A_52 = arith.subi %sub3A_31, %mul3A_51 : i32
        "tpu.region"() ({
          %run_scoped3A = tpu.sem_alloc : memref<!tpu.dma_semaphore, #tpu.memory_space<semaphore_mem>>
          %dma_start3A = arith.constant 0 : i32
          %dma_start3A_55 = tpu.memref_slice %arg4[%select_n3A, %sub3A_52, %dma_start3A] : memref<6x40x100000xf32, #tpu.memory_space<hbm>> -> memref<1x1x100000xf32, #tpu.memory_space<hbm>>
          %dma_start3A_56 = tpu.memref_squeeze %dma_start3A_55 : memref<1x1x100000xf32, #tpu.memory_space<hbm>> -> memref<100000xf32, #tpu.memory_space<hbm>>
          %dma_start3A_57 = arith.constant 0 : i32
          %dma_start3A_58 = tpu.memref_slice %arg4[%select_n3A, %sub3A_52, %dma_start3A_57] : memref<6x40x100000xf32, #tpu.memory_space<hbm>> -> memref<1x1x100000xf32, #tpu.memory_space<hbm>>
          %dma_start3A_59 = tpu.memref_squeeze %dma_start3A_58 : memref<1x1x100000xf32, #tpu.memory_space<hbm>> -> memref<100000xf32, #tpu.memory_space<hbm>>
          tpu.enqueue_dma source(%dma_start3A_59 : memref<100000xf32, #tpu.memory_space<hbm>>) target(%arg12 : memref<100000xf32, #tpu.memory_space<vmem>>) target_semaphore(%run_scoped3A : memref<!tpu.dma_semaphore, #tpu.memory_space<semaphore_mem>>)
          %dma_wait3A = arith.constant 0 : i32
          %dma_wait3A_60 = tpu.memref_slice %arg4[%select_n3A, %sub3A_52, %dma_wait3A] : memref<6x40x100000xf32, #tpu.memory_space<hbm>> -> memref<1x1x100000xf32, #tpu.memory_space<hbm>>
          %dma_wait3A_61 = tpu.memref_squeeze %dma_wait3A_60 : memref<1x1x100000xf32, #tpu.memory_space<hbm>> -> memref<100000xf32, #tpu.memory_space<hbm>>
          %dma_wait3A_62 = arith.constant 0 : i32
          %dma_wait3A_63 = tpu.memref_slice %arg4[%select_n3A, %sub3A_52, %dma_wait3A_62] : memref<6x40x100000xf32, #tpu.memory_space<hbm>> -> memref<1x1x100000xf32, #tpu.memory_space<hbm>>
          %dma_wait3A_64 = tpu.memref_squeeze %dma_wait3A_63 : memref<1x1x100000xf32, #tpu.memory_space<hbm>> -> memref<100000xf32, #tpu.memory_space<hbm>>
          tpu.wait_dma2 semaphore(%run_scoped3A : memref<!tpu.dma_semaphore, #tpu.memory_space<semaphore_mem>>) src(%dma_wait3A_64 : memref<100000xf32, #tpu.memory_space<hbm>>) dst(%arg12 : memref<100000xf32, #tpu.memory_space<vmem>>)
          tpu.yield
        }) : () -> ()
        %parallel_loop3A = arith.constant 0 : i32
        %parallel_loop3A_53 = arith.constant 4096 : i32
        %parallel_loop3A_54 = arith.constant 16 : i32
        scf.for %parallel_loop3A_55 = %parallel_loop3A to %parallel_loop3A_53 step %parallel_loop3A_54  : i32 {
          %parallel_loop3A_56 = arith.index_cast %parallel_loop3A_55 : i32 to index
          %parallel_loop3A_57 = tpu.vector_load %arg11[%parallel_loop3A_56] {strides = array<i32>} : memref<4096xi32, #tpu.memory_space<vmem>>, vector<16xi32>,
          %parallel_loop3A_58 = tpu.vector_load_idx %arg12[%parallel_loop3A_57] : memref<100000xf32, #tpu.memory_space<vmem>>[vector<16xi32>], vector<16xf32>,
          %parallel_loop3A_59 = arith.index_cast %parallel_loop3A_55 : i32 to index
          %parallel_loop3A_60 = tpu.vector_load %arg13[%parallel_loop3A_59] {strides = array<i32>} : memref<4096xf32, #tpu.memory_space<vmem>>, vector<16xf32>,
          tpu.vector_store %arg13[%parallel_loop3A_59], %parallel_loop3A_58 {strides = array<i32>} : memref<4096xf32, #tpu.memory_space<vmem>>, vector<16xf32>,
        } {sc.loop_unroll_factor = 16 : i64, sc.parallel_access}
        "tpu.region"() ({
          %run_scoped3A = tpu.sem_alloc : memref<!tpu.dma_semaphore, #tpu.memory_space<semaphore_mem>>
          %dma_start3A = arith.constant 0 : i32
          %dma_start3A_55 = tpu.memref_slice %arg8[%select_n3A, %sub3A_52, %dma_start3A] : memref<6x40x4096xf32, #tpu.memory_space<hbm>> -> memref<1x1x4096xf32, #tpu.memory_space<hbm>>
          %dma_start3A_56 = tpu.memref_squeeze %dma_start3A_55 : memref<1x1x4096xf32, #tpu.memory_space<hbm>> -> memref<4096xf32, #tpu.memory_space<hbm>>
          %dma_start3A_57 = arith.constant 0 : i32
          %dma_start3A_58 = tpu.memref_slice %arg8[%select_n3A, %sub3A_52, %dma_start3A_57] : memref<6x40x4096xf32, #tpu.memory_space<hbm>> -> memref<1x1x4096xf32, #tpu.memory_space<hbm>>
          %dma_start3A_59 = tpu.memref_squeeze %dma_start3A_58 : memref<1x1x4096xf32, #tpu.memory_space<hbm>> -> memref<4096xf32, #tpu.memory_space<hbm>>
          tpu.enqueue_dma source(%arg13 : memref<4096xf32, #tpu.memory_space<vmem>>) target(%dma_start3A_59 : memref<4096xf32, #tpu.memory_space<hbm>>) target_semaphore(%run_scoped3A : memref<!tpu.dma_semaphore, #tpu.memory_space<semaphore_mem>>)
          %dma_wait3A = arith.constant 0 : i32
          %dma_wait3A_60 = tpu.memref_slice %arg8[%select_n3A, %sub3A_52, %dma_wait3A] : memref<6x40x4096xf32, #tpu.memory_space<hbm>> -> memref<1x1x4096xf32, #tpu.memory_space<hbm>>
          %dma_wait3A_61 = tpu.memref_squeeze %dma_wait3A_60 : memref<1x1x4096xf32, #tpu.memory_space<hbm>> -> memref<4096xf32, #tpu.memory_space<hbm>>
          %dma_wait3A_62 = arith.constant 0 : i32
          %dma_wait3A_63 = tpu.memref_slice %arg8[%select_n3A, %sub3A_52, %dma_wait3A_62] : memref<6x40x4096xf32, #tpu.memory_space<hbm>> -> memref<1x1x4096xf32, #tpu.memory_space<hbm>>
          %dma_wait3A_64 = tpu.memref_squeeze %dma_wait3A_63 : memref<1x1x4096xf32, #tpu.memory_space<hbm>> -> memref<4096xf32, #tpu.memory_space<hbm>>
          tpu.wait_dma2 semaphore(%run_scoped3A : memref<!tpu.dma_semaphore, #tpu.memory_space<semaphore_mem>>) src(%arg13 : memref<4096xf32, #tpu.memory_space<vmem>>) dst(%dma_wait3A_64 : memref<4096xf32, #tpu.memory_space<hbm>>)
          tpu.yield
        }) : () -> ()
      } else {
      }
      %ge3A_18 = arith.constant 520 : i32
      %ge3A_19 = arith.cmpi sge, %add3A_9, %ge3A_18 : i32
      %lt3A_20 = arith.constant 560 : i32
      %lt3A_21 = arith.cmpi slt, %add3A_9, %lt3A_20 : i32
      %and3A_22 = arith.andi %ge3A_19, %lt3A_21 : i1
      %convert_element_type3A_23 = arith.extui %and3A_22 : i1 to i32
      %cond3A_24 = arith.constant 0 : i32
      %cond3A_25 = arith.cmpi ne, %convert_element_type3A_23, %cond3A_24 : i32
      scf.if %cond3A_25 {
        %sub3A = arith.constant 520 : i32
        %sub3A_31 = arith.subi %add3A_9, %sub3A : i32
        "tpu.region"() ({
          %run_scoped3A = tpu.sem_alloc : memref<!tpu.dma_semaphore, #tpu.memory_space<semaphore_mem>>
          %dma_start3A = arith.constant 0 : i32
          %dma_start3A_34 = tpu.memref_slice %arg5[%sub3A_31, %dma_start3A] : memref<40x100000xf32, #tpu.memory_space<hbm>> -> memref<1x100000xf32, #tpu.memory_space<hbm>>
          %dma_start3A_35 = tpu.memref_squeeze %dma_start3A_34 : memref<1x100000xf32, #tpu.memory_space<hbm>> -> memref<100000xf32, #tpu.memory_space<hbm>>
          %dma_start3A_36 = arith.constant 0 : i32
          %dma_start3A_37 = tpu.memref_slice %arg5[%sub3A_31, %dma_start3A_36] : memref<40x100000xf32, #tpu.memory_space<hbm>> -> memref<1x100000xf32, #tpu.memory_space<hbm>>
          %dma_start3A_38 = tpu.memref_squeeze %dma_start3A_37 : memref<1x100000xf32, #tpu.memory_space<hbm>> -> memref<100000xf32, #tpu.memory_space<hbm>>
          tpu.enqueue_dma source(%dma_start3A_38 : memref<100000xf32, #tpu.memory_space<hbm>>) target(%arg12 : memref<100000xf32, #tpu.memory_space<vmem>>) target_semaphore(%run_scoped3A : memref<!tpu.dma_semaphore, #tpu.memory_space<semaphore_mem>>)
          %dma_wait3A = arith.constant 0 : i32
          %dma_wait3A_39 = tpu.memref_slice %arg5[%sub3A_31, %dma_wait3A] : memref<40x100000xf32, #tpu.memory_space<hbm>> -> memref<1x100000xf32, #tpu.memory_space<hbm>>
          %dma_wait3A_40 = tpu.memref_squeeze %dma_wait3A_39 : memref<1x100000xf32, #tpu.memory_space<hbm>> -> memref<100000xf32, #tpu.memory_space<hbm>>
          %dma_wait3A_41 = arith.constant 0 : i32
          %dma_wait3A_42 = tpu.memref_slice %arg5[%sub3A_31, %dma_wait3A_41] : memref<40x100000xf32, #tpu.memory_space<hbm>> -> memref<1x100000xf32, #tpu.memory_space<hbm>>
          %dma_wait3A_43 = tpu.memref_squeeze %dma_wait3A_42 : memref<1x100000xf32, #tpu.memory_space<hbm>> -> memref<100000xf32, #tpu.memory_space<hbm>>
          tpu.wait_dma2 semaphore(%run_scoped3A : memref<!tpu.dma_semaphore, #tpu.memory_space<semaphore_mem>>) src(%dma_wait3A_43 : memref<100000xf32, #tpu.memory_space<hbm>>) dst(%arg12 : memref<100000xf32, #tpu.memory_space<vmem>>)
          tpu.yield
        }) : () -> ()
        %parallel_loop3A = arith.constant 0 : i32
        %parallel_loop3A_32 = arith.constant 4096 : i32
        %parallel_loop3A_33 = arith.constant 16 : i32
        scf.for %parallel_loop3A_34 = %parallel_loop3A to %parallel_loop3A_32 step %parallel_loop3A_33  : i32 {
          %parallel_loop3A_35 = arith.index_cast %parallel_loop3A_34 : i32 to index
          %parallel_loop3A_36 = tpu.vector_load %arg11[%parallel_loop3A_35] {strides = array<i32>} : memref<4096xi32, #tpu.memory_space<vmem>>, vector<16xi32>,
          %parallel_loop3A_37 = tpu.vector_load_idx %arg12[%parallel_loop3A_36] : memref<100000xf32, #tpu.memory_space<vmem>>[vector<16xi32>], vector<16xf32>,
          %parallel_loop3A_38 = arith.index_cast %parallel_loop3A_34 : i32 to index
          %parallel_loop3A_39 = tpu.vector_load %arg13[%parallel_loop3A_38] {strides = array<i32>} : memref<4096xf32, #tpu.memory_space<vmem>>, vector<16xf32>,
          tpu.vector_store %arg13[%parallel_loop3A_38], %parallel_loop3A_37 {strides = array<i32>} : memref<4096xf32, #tpu.memory_space<vmem>>, vector<16xf32>,
        } {sc.loop_unroll_factor = 16 : i64, sc.parallel_access}
        "tpu.region"() ({
          %run_scoped3A = tpu.sem_alloc : memref<!tpu.dma_semaphore, #tpu.memory_space<semaphore_mem>>
          %dma_start3A = arith.constant 0 : i32
          %dma_start3A_34 = tpu.memref_slice %arg9[%sub3A_31, %dma_start3A] : memref<40x4096xf32, #tpu.memory_space<hbm>> -> memref<1x4096xf32, #tpu.memory_space<hbm>>
          %dma_start3A_35 = tpu.memref_squeeze %dma_start3A_34 : memref<1x4096xf32, #tpu.memory_space<hbm>> -> memref<4096xf32, #tpu.memory_space<hbm>>
          %dma_start3A_36 = arith.constant 0 : i32
          %dma_start3A_37 = tpu.memref_slice %arg9[%sub3A_31, %dma_start3A_36] : memref<40x4096xf32, #tpu.memory_space<hbm>> -> memref<1x4096xf32, #tpu.memory_space<hbm>>
          %dma_start3A_38 = tpu.memref_squeeze %dma_start3A_37 : memref<1x4096xf32, #tpu.memory_space<hbm>> -> memref<4096xf32, #tpu.memory_space<hbm>>
          tpu.enqueue_dma source(%arg13 : memref<4096xf32, #tpu.memory_space<vmem>>) target(%dma_start3A_38 : memref<4096xf32, #tpu.memory_space<hbm>>) target_semaphore(%run_scoped3A : memref<!tpu.dma_semaphore, #tpu.memory_space<semaphore_mem>>)
          %dma_wait3A = arith.constant 0 : i32
          %dma_wait3A_39 = tpu.memref_slice %arg9[%sub3A_31, %dma_wait3A] : memref<40x4096xf32, #tpu.memory_space<hbm>> -> memref<1x4096xf32, #tpu.memory_space<hbm>>
          %dma_wait3A_40 = tpu.memref_squeeze %dma_wait3A_39 : memref<1x4096xf32, #tpu.memory_space<hbm>> -> memref<4096xf32, #tpu.memory_space<hbm>>
          %dma_wait3A_41 = arith.constant 0 : i32
          %dma_wait3A_42 = tpu.memref_slice %arg9[%sub3A_31, %dma_wait3A_41] : memref<40x4096xf32, #tpu.memory_space<hbm>> -> memref<1x4096xf32, #tpu.memory_space<hbm>>
          %dma_wait3A_43 = tpu.memref_squeeze %dma_wait3A_42 : memref<1x4096xf32, #tpu.memory_space<hbm>> -> memref<4096xf32, #tpu.memory_space<hbm>>
          tpu.wait_dma2 semaphore(%run_scoped3A : memref<!tpu.dma_semaphore, #tpu.memory_space<semaphore_mem>>) src(%arg13 : memref<4096xf32, #tpu.memory_space<vmem>>) dst(%dma_wait3A_43 : memref<4096xf32, #tpu.memory_space<hbm>>)
          tpu.yield
        }) : () -> ()
      } else {
      }
      %ge3A_26 = arith.constant 560 : i32
      %ge3A_27 = arith.cmpi sge, %add3A_9, %ge3A_26 : i32
      %convert_element_type3A_28 = arith.extui %ge3A_27 : i1 to i32
      %cond3A_29 = arith.constant 0 : i32
      %cond3A_30 = arith.cmpi ne, %convert_element_type3A_28, %cond3A_29 : i32
      scf.if %cond3A_30 {
        %sub3A = arith.constant 560 : i32
        %sub3A_31 = arith.subi %add3A_9, %sub3A : i32
        %min3A = arith.constant 2 : i32
        %min3A_32 = arith.minsi %sub3A_31, %min3A : i32
        "tpu.region"() ({
          %run_scoped3A = tpu.sem_alloc : memref<!tpu.dma_semaphore, #tpu.memory_space<semaphore_mem>>
          %dma_start3A = arith.constant 0 : i32
          %dma_start3A_35 = tpu.memref_slice %arg6[%min3A_32, %dma_start3A] : memref<3x100000xf32, #tpu.memory_space<hbm>> -> memref<1x100000xf32, #tpu.memory_space<hbm>>
          %dma_start3A_36 = tpu.memref_squeeze %dma_start3A_35 : memref<1x100000xf32, #tpu.memory_space<hbm>> -> memref<100000xf32, #tpu.memory_space<hbm>>
          %dma_start3A_37 = arith.constant 0 : i32
          %dma_start3A_38 = tpu.memref_slice %arg6[%min3A_32, %dma_start3A_37] : memref<3x100000xf32, #tpu.memory_space<hbm>> -> memref<1x100000xf32, #tpu.memory_space<hbm>>
          %dma_start3A_39 = tpu.memref_squeeze %dma_start3A_38 : memref<1x100000xf32, #tpu.memory_space<hbm>> -> memref<100000xf32, #tpu.memory_space<hbm>>
          tpu.enqueue_dma source(%dma_start3A_39 : memref<100000xf32, #tpu.memory_space<hbm>>) target(%arg12 : memref<100000xf32, #tpu.memory_space<vmem>>) target_semaphore(%run_scoped3A : memref<!tpu.dma_semaphore, #tpu.memory_space<semaphore_mem>>)
          %dma_wait3A = arith.constant 0 : i32
          %dma_wait3A_40 = tpu.memref_slice %arg6[%min3A_32, %dma_wait3A] : memref<3x100000xf32, #tpu.memory_space<hbm>> -> memref<1x100000xf32, #tpu.memory_space<hbm>>
          %dma_wait3A_41 = tpu.memref_squeeze %dma_wait3A_40 : memref<1x100000xf32, #tpu.memory_space<hbm>> -> memref<100000xf32, #tpu.memory_space<hbm>>
          %dma_wait3A_42 = arith.constant 0 : i32
          %dma_wait3A_43 = tpu.memref_slice %arg6[%min3A_32, %dma_wait3A_42] : memref<3x100000xf32, #tpu.memory_space<hbm>> -> memref<1x100000xf32, #tpu.memory_space<hbm>>
          %dma_wait3A_44 = tpu.memref_squeeze %dma_wait3A_43 : memref<1x100000xf32, #tpu.memory_space<hbm>> -> memref<100000xf32, #tpu.memory_space<hbm>>
          tpu.wait_dma2 semaphore(%run_scoped3A : memref<!tpu.dma_semaphore, #tpu.memory_space<semaphore_mem>>) src(%dma_wait3A_44 : memref<100000xf32, #tpu.memory_space<hbm>>) dst(%arg12 : memref<100000xf32, #tpu.memory_space<vmem>>)
          tpu.yield
        }) : () -> ()
        %parallel_loop3A = arith.constant 0 : i32
        %parallel_loop3A_33 = arith.constant 4096 : i32
        %parallel_loop3A_34 = arith.constant 16 : i32
        scf.for %parallel_loop3A_35 = %parallel_loop3A to %parallel_loop3A_33 step %parallel_loop3A_34  : i32 {
          %parallel_loop3A_36 = arith.index_cast %parallel_loop3A_35 : i32 to index
          %parallel_loop3A_37 = tpu.vector_load %arg11[%parallel_loop3A_36] {strides = array<i32>} : memref<4096xi32, #tpu.memory_space<vmem>>, vector<16xi32>,
          %parallel_loop3A_38 = tpu.vector_load_idx %arg12[%parallel_loop3A_37] : memref<100000xf32, #tpu.memory_space<vmem>>[vector<16xi32>], vector<16xf32>,
          %parallel_loop3A_39 = arith.index_cast %parallel_loop3A_35 : i32 to index
          %parallel_loop3A_40 = tpu.vector_load %arg13[%parallel_loop3A_39] {strides = array<i32>} : memref<4096xf32, #tpu.memory_space<vmem>>, vector<16xf32>,
          tpu.vector_store %arg13[%parallel_loop3A_39], %parallel_loop3A_38 {strides = array<i32>} : memref<4096xf32, #tpu.memory_space<vmem>>, vector<16xf32>,
        } {sc.loop_unroll_factor = 16 : i64, sc.parallel_access}
        "tpu.region"() ({
          %run_scoped3A = tpu.sem_alloc : memref<!tpu.dma_semaphore, #tpu.memory_space<semaphore_mem>>
          %dma_start3A = arith.constant 0 : i32
          %dma_start3A_35 = tpu.memref_slice %arg10[%min3A_32, %dma_start3A] : memref<3x4096xf32, #tpu.memory_space<hbm>> -> memref<1x4096xf32, #tpu.memory_space<hbm>>
          %dma_start3A_36 = tpu.memref_squeeze %dma_start3A_35 : memref<1x4096xf32, #tpu.memory_space<hbm>> -> memref<4096xf32, #tpu.memory_space<hbm>>
          %dma_start3A_37 = arith.constant 0 : i32
          %dma_start3A_38 = tpu.memref_slice %arg10[%min3A_32, %dma_start3A_37] : memref<3x4096xf32, #tpu.memory_space<hbm>> -> memref<1x4096xf32, #tpu.memory_space<hbm>>
          %dma_start3A_39 = tpu.memref_squeeze %dma_start3A_38 : memref<1x4096xf32, #tpu.memory_space<hbm>> -> memref<4096xf32, #tpu.memory_space<hbm>>
          tpu.enqueue_dma source(%arg13 : memref<4096xf32, #tpu.memory_space<vmem>>) target(%dma_start3A_39 : memref<4096xf32, #tpu.memory_space<hbm>>) target_semaphore(%run_scoped3A : memref<!tpu.dma_semaphore, #tpu.memory_space<semaphore_mem>>)
          %dma_wait3A = arith.constant 0 : i32
          %dma_wait3A_40 = tpu.memref_slice %arg10[%min3A_32, %dma_wait3A] : memref<3x4096xf32, #tpu.memory_space<hbm>> -> memref<1x4096xf32, #tpu.memory_space<hbm>>
          %dma_wait3A_41 = tpu.memref_squeeze %dma_wait3A_40 : memref<1x4096xf32, #tpu.memory_space<hbm>> -> memref<4096xf32, #tpu.memory_space<hbm>>
          %dma_wait3A_42 = arith.constant 0 : i32
          %dma_wait3A_43 = tpu.memref_slice %arg10[%min3A_32, %dma_wait3A_42] : memref<3x4096xf32, #tpu.memory_space<hbm>> -> memref<1x4096xf32, #tpu.memory_space<hbm>>
          %dma_wait3A_44 = tpu.memref_squeeze %dma_wait3A_43 : memref<1x4096xf32, #tpu.memory_space<hbm>> -> memref<4096xf32, #tpu.memory_space<hbm>>
          tpu.wait_dma2 semaphore(%run_scoped3A : memref<!tpu.dma_semaphore, #tpu.memory_space<semaphore_mem>>) src(%arg13 : memref<4096xf32, #tpu.memory_space<vmem>>) dst(%dma_wait3A_44 : memref<4096xf32, #tpu.memory_space<hbm>>)
          tpu.yield
        }) : () -> ()
      } else {
      }
    }
    %scan3A_5 = arith.constant 18 : i32
    return
  }
}

module attributes {stable_mosaic.version = 14 : i64} {
  func.func @_tc_math(%arg0: memref<7x40x4096xf32, #tpu.memory_space<vmem>>, %arg1: memref<6x40x4096xf32, #tpu.memory_space<vmem>>, %arg2: memref<3x4096xf32, #tpu.memory_space<vmem>>, %arg3: memref<3x4096xf32, #tpu.memory_space<vmem>>, %arg4: memref<7x40x4096xf32, #tpu.memory_space<vmem>>) attributes {dimension_semantics = [], scalar_prefetch = 0 : i64, scratch_operands = 0 : i64, tpu.core_type = #tpu.core_type<tc>} {
    %get3A = arith.constant 0 : index
    %get3A_0 = arith.constant 0 : index
    %get3A_1 = vector.load %arg3[%get3A, %get3A_0] : memref<3x4096xf32, #tpu.memory_space<vmem>>, vector<1x4096xf32>
    %get3A_2 = arith.constant 0 : index
    %get3A_3 = arith.constant 0 : index
    %get3A_4 = vector.load %arg2[%get3A_2, %get3A_3] : memref<3x4096xf32, #tpu.memory_space<vmem>>, vector<1x4096xf32>
    %div3A = arith.divf %get3A_1, %get3A_4 : vector<1x4096xf32>
    %get3A_5 = arith.constant 1 : index
    %get3A_6 = arith.constant 0 : index
    %get3A_7 = vector.load %arg3[%get3A_5, %get3A_6] : memref<3x4096xf32, #tpu.memory_space<vmem>>, vector<1x4096xf32>
    %get3A_8 = arith.constant 1 : index
    %get3A_9 = arith.constant 0 : index
    %get3A_10 = vector.load %arg2[%get3A_8, %get3A_9] : memref<3x4096xf32, #tpu.memory_space<vmem>>, vector<1x4096xf32>
    %mul3A = arith.mulf %get3A_10, %div3A : vector<1x4096xf32>
    %sub3A = arith.subf %get3A_7, %mul3A : vector<1x4096xf32>
    %get3A_11 = arith.constant 2 : index
    %get3A_12 = arith.constant 0 : index
    %get3A_13 = vector.load %arg3[%get3A_11, %get3A_12] : memref<3x4096xf32, #tpu.memory_space<vmem>>, vector<1x4096xf32>
    %get3A_14 = arith.constant 2 : index
    %get3A_15 = arith.constant 0 : index
    %get3A_16 = vector.load %arg2[%get3A_14, %get3A_15] : memref<3x4096xf32, #tpu.memory_space<vmem>>, vector<1x4096xf32>
    %mul3A_17 = arith.mulf %get3A_16, %div3A : vector<1x4096xf32>
    %sub3A_18 = arith.subf %get3A_13, %mul3A_17 : vector<1x4096xf32>
    %get3A_19 = arith.constant 0 : index
    %get3A_20 = arith.constant 0 : index
    %get3A_21 = arith.constant 0 : index
    %get3A_22 = vector.load %arg0[%get3A_19, %get3A_20, %get3A_21] : memref<7x40x4096xf32, #tpu.memory_space<vmem>>, vector<1x40x4096xf32>
    %get3A_23 = vector.shape_cast %get3A_22 : vector<1x40x4096xf32> to vector<40x4096xf32>
    %get3A_24 = arith.constant 0 : index
    %get3A_25 = arith.constant 0 : index
    %get3A_26 = arith.constant 0 : index
    %get3A_27 = vector.load %arg1[%get3A_24, %get3A_25, %get3A_26] : memref<6x40x4096xf32, #tpu.memory_space<vmem>>, vector<1x40x4096xf32>
    %get3A_28 = vector.shape_cast %get3A_27 : vector<1x40x4096xf32> to vector<40x4096xf32>
    %add3A = arith.addf %get3A_23, %get3A_28 : vector<40x4096xf32>
    %mul3A_29 = vector.broadcast %div3A : vector<1x4096xf32> to vector<40x4096xf32>
    %mul3A_30 = arith.mulf %add3A, %mul3A_29 : vector<40x4096xf32>
    %get3A_31 = arith.constant 1 : index
    %get3A_32 = arith.constant 0 : index
    %get3A_33 = arith.constant 0 : index
    %get3A_34 = vector.load %arg0[%get3A_31, %get3A_32, %get3A_33] : memref<7x40x4096xf32, #tpu.memory_space<vmem>>, vector<1x40x4096xf32>
    %get3A_35 = vector.shape_cast %get3A_34 : vector<1x40x4096xf32> to vector<40x4096xf32>
    %get3A_36 = arith.constant 1 : index
    %get3A_37 = arith.constant 0 : index
    %get3A_38 = arith.constant 0 : index
    %get3A_39 = vector.load %arg1[%get3A_36, %get3A_37, %get3A_38] : memref<6x40x4096xf32, #tpu.memory_space<vmem>>, vector<1x40x4096xf32>
    %get3A_40 = vector.shape_cast %get3A_39 : vector<1x40x4096xf32> to vector<40x4096xf32>
    %add3A_41 = arith.addf %get3A_35, %get3A_40 : vector<40x4096xf32>
    %mul3A_42 = vector.broadcast %div3A : vector<1x4096xf32> to vector<40x4096xf32>
    %mul3A_43 = arith.mulf %add3A_41, %mul3A_42 : vector<40x4096xf32>
    %add3A_44 = vector.broadcast %sub3A : vector<1x4096xf32> to vector<40x4096xf32>
    %add3A_45 = arith.addf %mul3A_43, %add3A_44 : vector<40x4096xf32>
    %get3A_46 = arith.constant 2 : index
    %get3A_47 = arith.constant 0 : index
    %get3A_48 = arith.constant 0 : index
    %get3A_49 = vector.load %arg0[%get3A_46, %get3A_47, %get3A_48] : memref<7x40x4096xf32, #tpu.memory_space<vmem>>, vector<1x40x4096xf32>
    %get3A_50 = vector.shape_cast %get3A_49 : vector<1x40x4096xf32> to vector<40x4096xf32>
    %get3A_51 = arith.constant 2 : index
    %get3A_52 = arith.constant 0 : index
    %get3A_53 = arith.constant 0 : index
    %get3A_54 = vector.load %arg1[%get3A_51, %get3A_52, %get3A_53] : memref<6x40x4096xf32, #tpu.memory_space<vmem>>, vector<1x40x4096xf32>
    %get3A_55 = vector.shape_cast %get3A_54 : vector<1x40x4096xf32> to vector<40x4096xf32>
    %add3A_56 = arith.addf %get3A_50, %get3A_55 : vector<40x4096xf32>
    %mul3A_57 = vector.broadcast %div3A : vector<1x4096xf32> to vector<40x4096xf32>
    %mul3A_58 = arith.mulf %add3A_56, %mul3A_57 : vector<40x4096xf32>
    %add3A_59 = vector.broadcast %sub3A_18 : vector<1x4096xf32> to vector<40x4096xf32>
    %add3A_60 = arith.addf %mul3A_58, %add3A_59 : vector<40x4096xf32>
    %get3A_61 = arith.constant 3 : index
    %get3A_62 = arith.constant 0 : index
    %get3A_63 = arith.constant 0 : index
    %get3A_64 = vector.load %arg1[%get3A_61, %get3A_62, %get3A_63] : memref<6x40x4096xf32, #tpu.memory_space<vmem>>, vector<1x40x4096xf32>
    %get3A_65 = vector.shape_cast %get3A_64 : vector<1x40x4096xf32> to vector<40x4096xf32>
    %tanh3A = math.tanh %get3A_65 : vector<40x4096xf32>
    %mul3A_66 = arith.constant 0.261799395 : f32
    %mul3A_67 = vector.broadcast %mul3A_66 : f32 to vector<40x4096xf32>
    %mul3A_68 = arith.mulf %tanh3A, %mul3A_67 : vector<40x4096xf32>
    %get3A_69 = arith.constant 4 : index
    %get3A_70 = arith.constant 0 : index
    %get3A_71 = arith.constant 0 : index
    %get3A_72 = vector.load %arg1[%get3A_69, %get3A_70, %get3A_71] : memref<6x40x4096xf32, #tpu.memory_space<vmem>>, vector<1x40x4096xf32>
    %get3A_73 = vector.shape_cast %get3A_72 : vector<1x40x4096xf32> to vector<40x4096xf32>
    %tanh3A_74 = math.tanh %get3A_73 : vector<40x4096xf32>
    %mul3A_75 = arith.constant 0.0872664601 : f32
    %mul3A_76 = vector.broadcast %mul3A_75 : f32 to vector<40x4096xf32>
    %mul3A_77 = arith.mulf %tanh3A_74, %mul3A_76 : vector<40x4096xf32>
    %get3A_78 = arith.constant 5 : index
    %get3A_79 = arith.constant 0 : index
    %get3A_80 = arith.constant 0 : index
    %get3A_81 = vector.load %arg1[%get3A_78, %get3A_79, %get3A_80] : memref<6x40x4096xf32, #tpu.memory_space<vmem>>, vector<1x40x4096xf32>
    %get3A_82 = vector.shape_cast %get3A_81 : vector<1x40x4096xf32> to vector<40x4096xf32>
    %tanh3A_83 = math.tanh %get3A_82 : vector<40x4096xf32>
    %mul3A_84 = arith.constant 0.0872664601 : f32
    %mul3A_85 = vector.broadcast %mul3A_84 : f32 to vector<40x4096xf32>
    %mul3A_86 = arith.mulf %tanh3A_83, %mul3A_85 : vector<40x4096xf32>
    %sin3A = math.sin %mul3A_68 : vector<40x4096xf32>
    %cos3A = math.cos %mul3A_68 : vector<40x4096xf32>
    %sin3A_87 = math.sin %mul3A_77 : vector<40x4096xf32>
    %cos3A_88 = math.cos %mul3A_77 : vector<40x4096xf32>
    %sin3A_89 = math.sin %mul3A_86 : vector<40x4096xf32>
    %cos3A_90 = math.cos %mul3A_86 : vector<40x4096xf32>
    %mul3A_91 = arith.mulf %cos3A_88, %cos3A_90 : vector<40x4096xf32>
    %mul3A_92 = arith.mulf %sin3A_87, %cos3A_90 : vector<40x4096xf32>
    %mul3A_93 = arith.mulf %sin3A_87, %sin3A_89 : vector<40x4096xf32>
    %neg3A = arith.constant 0.000000e+00 : f32
    %neg3A_94 = vector.broadcast %neg3A : f32 to vector<40x4096xf32>
    %neg3A_95 = arith.subf %neg3A_94, %mul3A_93 : vector<40x4096xf32>
    %mul3A_96 = arith.mulf %cos3A_88, %sin3A_89 : vector<40x4096xf32>
    %mul3A_97 = arith.mulf %cos3A, %mul3A_91 : vector<40x4096xf32>
    %mul3A_98 = arith.mulf %sin3A, %neg3A_95 : vector<40x4096xf32>
    %sub3A_99 = arith.subf %mul3A_97, %mul3A_98 : vector<40x4096xf32>
    %mul3A_100 = arith.mulf %cos3A, %mul3A_92 : vector<40x4096xf32>
    %mul3A_101 = arith.mulf %sin3A, %mul3A_96 : vector<40x4096xf32>
    %add3A_102 = arith.addf %mul3A_100, %mul3A_101 : vector<40x4096xf32>
    %mul3A_103 = arith.mulf %cos3A, %neg3A_95 : vector<40x4096xf32>
    %mul3A_104 = arith.mulf %sin3A, %mul3A_91 : vector<40x4096xf32>
    %add3A_105 = arith.addf %mul3A_103, %mul3A_104 : vector<40x4096xf32>
    %mul3A_106 = arith.mulf %cos3A, %mul3A_96 : vector<40x4096xf32>
    %mul3A_107 = arith.mulf %sin3A, %mul3A_92 : vector<40x4096xf32>
    %sub3A_108 = arith.subf %mul3A_106, %mul3A_107 : vector<40x4096xf32>
    %get3A_109 = arith.constant 3 : index
    %get3A_110 = arith.constant 0 : index
    %get3A_111 = arith.constant 0 : index
    %get3A_112 = vector.load %arg0[%get3A_109, %get3A_110, %get3A_111] : memref<7x40x4096xf32, #tpu.memory_space<vmem>>, vector<1x40x4096xf32>
    %get3A_113 = vector.shape_cast %get3A_112 : vector<1x40x4096xf32> to vector<40x4096xf32>
    %get3A_114 = arith.constant 4 : index
    %get3A_115 = arith.constant 0 : index
    %get3A_116 = arith.constant 0 : index
    %get3A_117 = vector.load %arg0[%get3A_114, %get3A_115, %get3A_116] : memref<7x40x4096xf32, #tpu.memory_space<vmem>>, vector<1x40x4096xf32>
    %get3A_118 = vector.shape_cast %get3A_117 : vector<1x40x4096xf32> to vector<40x4096xf32>
    %get3A_119 = arith.constant 5 : index
    %get3A_120 = arith.constant 0 : index
    %get3A_121 = arith.constant 0 : index
    %get3A_122 = vector.load %arg0[%get3A_119, %get3A_120, %get3A_121] : memref<7x40x4096xf32, #tpu.memory_space<vmem>>, vector<1x40x4096xf32>
    %get3A_123 = vector.shape_cast %get3A_122 : vector<1x40x4096xf32> to vector<40x4096xf32>
    %get3A_124 = arith.constant 6 : index
    %get3A_125 = arith.constant 0 : index
    %get3A_126 = arith.constant 0 : index
    %get3A_127 = vector.load %arg0[%get3A_124, %get3A_125, %get3A_126] : memref<7x40x4096xf32, #tpu.memory_space<vmem>>, vector<1x40x4096xf32>
    %get3A_128 = vector.shape_cast %get3A_127 : vector<1x40x4096xf32> to vector<40x4096xf32>
    %swap3A = arith.constant 0 : index
    %swap3A_129 = arith.constant 0 : index
    %swap3A_130 = arith.constant 0 : index
    %swap3A_131 = vector.load %arg4[%swap3A, %swap3A_129, %swap3A_130] : memref<7x40x4096xf32, #tpu.memory_space<vmem>>, vector<1x40x4096xf32>
    %swap3A_132 = vector.shape_cast %swap3A_131 : vector<1x40x4096xf32> to vector<40x4096xf32>
    %swap3A_133 = vector.shape_cast %mul3A_30 : vector<40x4096xf32> to vector<1x40x4096xf32>
    tpu.vector_store %arg4[%swap3A, %swap3A_129, %swap3A_130], %swap3A_133 {strides = array<i32>} : memref<7x40x4096xf32, #tpu.memory_space<vmem>>, vector<1x40x4096xf32>,
    %swap3A_134 = arith.constant 1 : index
    %swap3A_135 = arith.constant 0 : index
    %swap3A_136 = arith.constant 0 : index
    %swap3A_137 = vector.load %arg4[%swap3A_134, %swap3A_135, %swap3A_136] : memref<7x40x4096xf32, #tpu.memory_space<vmem>>, vector<1x40x4096xf32>
    %swap3A_138 = vector.shape_cast %swap3A_137 : vector<1x40x4096xf32> to vector<40x4096xf32>
    %swap3A_139 = vector.shape_cast %add3A_45 : vector<40x4096xf32> to vector<1x40x4096xf32>
    tpu.vector_store %arg4[%swap3A_134, %swap3A_135, %swap3A_136], %swap3A_139 {strides = array<i32>} : memref<7x40x4096xf32, #tpu.memory_space<vmem>>, vector<1x40x4096xf32>,
    %swap3A_140 = arith.constant 2 : index
    %swap3A_141 = arith.constant 0 : index
    %swap3A_142 = arith.constant 0 : index
    %swap3A_143 = vector.load %arg4[%swap3A_140, %swap3A_141, %swap3A_142] : memref<7x40x4096xf32, #tpu.memory_space<vmem>>, vector<1x40x4096xf32>
    %swap3A_144 = vector.shape_cast %swap3A_143 : vector<1x40x4096xf32> to vector<40x4096xf32>
    %swap3A_145 = vector.shape_cast %add3A_60 : vector<40x4096xf32> to vector<1x40x4096xf32>
    tpu.vector_store %arg4[%swap3A_140, %swap3A_141, %swap3A_142], %swap3A_145 {strides = array<i32>} : memref<7x40x4096xf32, #tpu.memory_space<vmem>>, vector<1x40x4096xf32>,
    %mul3A_146 = arith.mulf %get3A_113, %sub3A_99 : vector<40x4096xf32>
    %mul3A_147 = arith.mulf %get3A_118, %add3A_102 : vector<40x4096xf32>
    %sub3A_148 = arith.subf %mul3A_146, %mul3A_147 : vector<40x4096xf32>
    %mul3A_149 = arith.mulf %get3A_123, %add3A_105 : vector<40x4096xf32>
    %sub3A_150 = arith.subf %sub3A_148, %mul3A_149 : vector<40x4096xf32>
    %mul3A_151 = arith.mulf %get3A_128, %sub3A_108 : vector<40x4096xf32>
    %sub3A_152 = arith.subf %sub3A_150, %mul3A_151 : vector<40x4096xf32>
    %swap3A_153 = arith.constant 3 : index
    %swap3A_154 = arith.constant 0 : index
    %swap3A_155 = arith.constant 0 : index
    %swap3A_156 = vector.load %arg4[%swap3A_153, %swap3A_154, %swap3A_155] : memref<7x40x4096xf32, #tpu.memory_space<vmem>>, vector<1x40x4096xf32>
    %swap3A_157 = vector.shape_cast %swap3A_156 : vector<1x40x4096xf32> to vector<40x4096xf32>
    %swap3A_158 = vector.shape_cast %sub3A_152 : vector<40x4096xf32> to vector<1x40x4096xf32>
    tpu.vector_store %arg4[%swap3A_153, %swap3A_154, %swap3A_155], %swap3A_158 {strides = array<i32>} : memref<7x40x4096xf32, #tpu.memory_space<vmem>>, vector<1x40x4096xf32>,
    %mul3A_159 = arith.mulf %get3A_113, %add3A_102 : vector<40x4096xf32>
    %mul3A_160 = arith.mulf %get3A_118, %sub3A_99 : vector<40x4096xf32>
    %add3A_161 = arith.addf %mul3A_159, %mul3A_160 : vector<40x4096xf32>
    %mul3A_162 = arith.mulf %get3A_123, %sub3A_108 : vector<40x4096xf32>
    %add3A_163 = arith.addf %add3A_161, %mul3A_162 : vector<40x4096xf32>
    %mul3A_164 = arith.mulf %get3A_128, %add3A_105 : vector<40x4096xf32>
    %sub3A_165 = arith.subf %add3A_163, %mul3A_164 : vector<40x4096xf32>
    %swap3A_166 = arith.constant 4 : index
    %swap3A_167 = arith.constant 0 : index
    %swap3A_168 = arith.constant 0 : index
    %swap3A_169 = vector.load %arg4[%swap3A_166, %swap3A_167, %swap3A_168] : memref<7x40x4096xf32, #tpu.memory_space<vmem>>, vector<1x40x4096xf32>
    %swap3A_170 = vector.shape_cast %swap3A_169 : vector<1x40x4096xf32> to vector<40x4096xf32>
    %swap3A_171 = vector.shape_cast %sub3A_165 : vector<40x4096xf32> to vector<1x40x4096xf32>
    tpu.vector_store %arg4[%swap3A_166, %swap3A_167, %swap3A_168], %swap3A_171 {strides = array<i32>} : memref<7x40x4096xf32, #tpu.memory_space<vmem>>, vector<1x40x4096xf32>,
    %mul3A_172 = arith.mulf %get3A_113, %add3A_105 : vector<40x4096xf32>
    %mul3A_173 = arith.mulf %get3A_118, %sub3A_108 : vector<40x4096xf32>
    %sub3A_174 = arith.subf %mul3A_172, %mul3A_173 : vector<40x4096xf32>
    %mul3A_175 = arith.mulf %get3A_123, %sub3A_99 : vector<40x4096xf32>
    %add3A_176 = arith.addf %sub3A_174, %mul3A_175 : vector<40x4096xf32>
    %mul3A_177 = arith.mulf %get3A_128, %add3A_102 : vector<40x4096xf32>
    %add3A_178 = arith.addf %add3A_176, %mul3A_177 : vector<40x4096xf32>
    %swap3A_179 = arith.constant 5 : index
    %swap3A_180 = arith.constant 0 : index
    %swap3A_181 = arith.constant 0 : index
    %swap3A_182 = vector.load %arg4[%swap3A_179, %swap3A_180, %swap3A_181] : memref<7x40x4096xf32, #tpu.memory_space<vmem>>, vector<1x40x4096xf32>
    %swap3A_183 = vector.shape_cast %swap3A_182 : vector<1x40x4096xf32> to vector<40x4096xf32>
    %swap3A_184 = vector.shape_cast %add3A_178 : vector<40x4096xf32> to vector<1x40x4096xf32>
    tpu.vector_store %arg4[%swap3A_179, %swap3A_180, %swap3A_181], %swap3A_184 {strides = array<i32>} : memref<7x40x4096xf32, #tpu.memory_space<vmem>>, vector<1x40x4096xf32>,
    %mul3A_185 = arith.mulf %get3A_113, %sub3A_108 : vector<40x4096xf32>
    %mul3A_186 = arith.mulf %get3A_118, %add3A_105 : vector<40x4096xf32>
    %add3A_187 = arith.addf %mul3A_185, %mul3A_186 : vector<40x4096xf32>
    %mul3A_188 = arith.mulf %get3A_123, %add3A_102 : vector<40x4096xf32>
    %sub3A_189 = arith.subf %add3A_187, %mul3A_188 : vector<40x4096xf32>
    %mul3A_190 = arith.mulf %get3A_128, %sub3A_99 : vector<40x4096xf32>
    %add3A_191 = arith.addf %sub3A_189, %mul3A_190 : vector<40x4096xf32>
    %swap3A_192 = arith.constant 6 : index
    %swap3A_193 = arith.constant 0 : index
    %swap3A_194 = arith.constant 0 : index
    %swap3A_195 = vector.load %arg4[%swap3A_192, %swap3A_193, %swap3A_194] : memref<7x40x4096xf32, #tpu.memory_space<vmem>>, vector<1x40x4096xf32>
    %swap3A_196 = vector.shape_cast %swap3A_195 : vector<1x40x4096xf32> to vector<40x4096xf32>
    %swap3A_197 = vector.shape_cast %add3A_191 : vector<40x4096xf32> to vector<1x40x4096xf32>
    tpu.vector_store %arg4[%swap3A_192, %swap3A_193, %swap3A_194], %swap3A_197 {strides = array<i32>} : memref<7x40x4096xf32, #tpu.memory_space<vmem>>, vector<1x40x4096xf32>,
    return
  }
}

</mosaic_0001>

<sc_bundles>
// kernel: kernel.4.cloned.1.call-start
scs
__scs_entry_jumppad:
0x0: {  	(pc) =	sbr.rel $0x88, $3  }
0x1: {  	(tag) =	ssettag $0x0;
	lr =	simm.s32 $0x1  }
0x2: {  	[smem:$0x3F9B] =	sst lr;
	_ =	strace $0xD0000000  }
0x3: {  	_ = 	snop  }
0x4: {  	_ = 	snop  }
0x5: {  	_ = 	snop  }
0x6: {  	_ = 	snop  }
0x7: {  	_ = 	snop  }
__scs_overlays_trampoline_lowered:
0x8: {  	[smem:$0x3FAA] =	sst s0  }
0x9: {  	[smem:$0x3FAB] =	sst s1  }
0xa: {  	[smem:$0x3FAC] =	sst s2  }
0xb: {  	[smem:$0x3FAD] =	sst s3  }
0xc: {  	[smem:$0x3FAE] =	sst s4  }
0xd: {  	[smem:$0x3FAF] =	sst s5  }
0xe: {  	[smem:$0x3FB0] =	sst s6  }
0xf: {  	[smem:$0x3FB1] =	sst s7  }
0x10: {  	[smem:$0x3FB2] =	sst s8  }
0x11: {  	[smem:$0x3FB3] =	sst s9;
	s0 =	simm.s32 @!p0 $0x0  }
0x12: {  	s1 =	sld [smem:$0x3F99];
	s0 =	simm.s32 @p0 $0x1  }
0x13: {  	[smem:$0x3FB4] =	sst s0;
	s0 =	simm.s32 @!p1 $0x0  }
0x14: {  	s2 =	sld [smem:$0x3F98];
	s0 =	simm.s32 @p1 $0x1  }
0x15: {  	[smem:$0x3FB5] =	sst s0;
	s0 =	simm.s32 @!p2 $0x0  }
0x16: {  	s3 =	sld [smem:$0x3FDB];
	s0 =	simm.s32 @p2 $0x1  }
0x17: {  	s4 =	simm.s32 $0x1BF5;
	[smem:$0x3FB7] =	sst s0  }
0x18: {  	s0 =	sld [smem:$0x3F9A];
	_ =	swait.ge [sflag:s4], $0x0  }
0x19: {  	s7 =	sld [smem:$0x3F9B]  }
0x1a: {  	s8 =	sadd.s32 $0xFFFFE003, lr  }
0x1b: {  	s9 =	sadd.s32 $0xFFFFFEF7, lr;
	s5 =	simm.s32 $0xFFFFFFFF;
	p2 =	slt.u32 s8, $0xFFFFF086  }
0x1c: {  	p1 =	slt.u32 s9, $0xF7A;
	s5 =	simm.s32 @!p2 $0x0  }
0x1d: {  	s5 =	simm.s32 @p1 $0x1;
	p0 =	seq.s32 s7, s2  }
0x1e: {  	s7 =	smul.u32 @!p0 $0xF7A, s2;
	p2 =	seq.s32 @!p0 s5, $0x0  }
0x1f: {  	s9 =	smul.u32 $0xF7A, s1;
	s8 =	simm.s32 @!p0 $0x1BF5;
	p2 =	por !p2, p0  }
0x20: {  	[sflag:s8] =	ssyncset.s32 @!p0 $0xFFFFF086;
	s6 =	sadd.s32 @!p0 s3, s7;
	s7 =	simm.s32 @!p0 $0x108  }
0x21: {  	s3 =	sadd.s32 s3, s9;
	s6 =	sadd.s32 @!p0 $0x88, s6;
	s7 =	simm.s32 @p2 $0x1082  }
0x22: {  	[simem:s7], [sflag:s8] =	dma.local @!p0 [hbm:s6], $0xF7A  }
0x23: {  	s9 =	sor.u32 $0xD0000000, s2;
	s6 =	simm.s32 $0x108;
	_ =	swait.ge @!p0 [sflag:s8], $0x0  }
0x24: {  	s3 =	sadd.s32 $0x88, s3;
	s6 =	simm.s32 @!p1 $0x1082;
	[sflag:s4] =	ssyncset.s32 $0xFFFFF086  }
0x25: {  	[simem:s6], [sflag:s4] =	dma.local [hbm:s3], $0xF7A  }
0x26: {  	[smem:$0x3F9B] =	sst s1;
	(tag) =	ssettag s2;
	_ =	strace s9  }
0x27: {  	s1 =	sld [smem:$0x3FAB]  }
0x28: {  	s2 =	sld [smem:$0x3FAC]  }
0x29: {  	s4 =	sld [smem:$0x3FAE]  }
0x2a: {  	p0 =	seq.s32 s5, $0x0;
	s5 =	sld [smem:$0x3FAF]  }
0x2b: {  	s6 =	sld [smem:$0x3FB0]  }
0x2c: {  	s7 =	sld [smem:$0x3FB1]  }
0x2d: {  	s3 =	simm.s32 $0x108;
	s8 =	sld [smem:$0x3FB2]  }
0x2e: {  	s3 =	simm.s32 @!p0 $0x1082;
	s9 =	sld [smem:$0x3FB3]  }
0x2f: {  	lr =	sadd.s32 s0, s3;
	s0 =	sld [smem:$0x3FAA]  }
0x30: {  	s3 =	sld [smem:$0x3FAD]  }
0x31: {  	[smem:$0x3FB6] =	sst s10  }
0x32: {  	s10 =	sld [smem:$0x3FB4];
	_ =	sdelay $0x3  }
0x33: {  	p0 =	seq.s32 s10, $0x1;
	s10 =	sld [smem:$0x3FB6];
	_ =	sdelay $0x3  }
0x34: {  	[smem:$0x3FB6] =	sst s10  }
0x35: {  	s10 =	sld [smem:$0x3FB5];
	_ =	sdelay $0x3  }
0x36: {  	p1 =	seq.s32 s10, $0x1;
	s10 =	sld [smem:$0x3FB6];
	_ =	sdelay $0x3  }
0x37: {  	[smem:$0x3FB6] =	sst s10  }
0x38: {  	s10 =	sld [smem:$0x3FB7]  }
0x39: {  	_ = 	snop;
	(pc) =	sbr.ind lr, $3  }
0x3a: {  	_ = 	snop  }
0x3b: {  	_ = 	snop  }
0x3c: {  	p2 =	seq.s32 s10, $0x1;
	s10 =	sld [smem:$0x3FB6]  }
0x3d: {  	_ =	shalt  }
0x3e: {  	_ =	shalt  }
0x3f: {  	_ =	shalt  }
0x40: {  	_ =	shalt  }
0x41: {  	_ =	shalt  }
0x42: {  	_ =	shalt  }
0x43: {  	_ =	shalt  }
0x44: {  	_ =	shalt  }
0x45: {  	_ =	shalt  }
0x46: {  	_ =	shalt  }
0x47: {  	_ =	shalt  }
0x48: {  	_ =	shalt  }
0x49: {  	_ =	shalt  }
0x4a: {  	_ =	shalt  }
0x4b: {  	_ =	shalt  }
0x4c: {  	_ =	shalt  }
0x4d: {  	_ =	shalt  }
0x4e: {  	_ =	shalt  }
0x4f: {  	_ =	shalt  }
0x50: {  	_ =	shalt  }
0x51: {  	_ =	shalt  }
0x52: {  	_ =	shalt  }
0x53: {  	_ =	shalt  }
0x54: {  	_ =	shalt  }
0x55: {  	_ =	shalt  }
0x56: {  	_ =	shalt  }
0x57: {  	_ =	shalt  }
0x58: {  	_ =	shalt  }
0x59: {  	_ =	shalt  }
0x5a: {  	_ =	shalt  }
0x5b: {  	_ =	shalt  }
0x5c: {  	_ =	shalt  }
0x5d: {  	_ =	shalt  }
0x5e: {  	_ =	shalt  }
0x5f: {  	_ =	shalt  }
0x60: {  	_ =	shalt  }
0x61: {  	_ =	shalt  }
0x62: {  	_ =	shalt  }
0x63: {  	_ =	shalt  }
0x64: {  	_ =	shalt  }
0x65: {  	_ =	shalt  }
0x66: {  	_ =	shalt  }
0x67: {  	_ =	shalt  }
0x68: {  	_ =	shalt  }
0x69: {  	_ =	shalt  }
0x6a: {  	_ =	shalt  }
0x6b: {  	_ =	shalt  }
0x6c: {  	_ =	shalt  }
0x6d: {  	_ =	shalt  }
0x6e: {  	_ =	shalt  }
0x6f: {  	_ =	shalt  }
0x70: {  	_ =	shalt  }
0x71: {  	_ =	shalt  }
0x72: {  	_ =	shalt  }
0x73: {  	_ =	shalt  }
0x74: {  	_ =	shalt  }
0x75: {  	_ =	shalt  }
0x76: {  	_ =	shalt  }
0x77: {  	_ =	shalt  }
0x78: {  	_ =	shalt  }
0x79: {  	_ =	shalt  }
0x7a: {  	_ =	shalt  }
0x7b: {  	_ =	shalt  }
0x7c: {  	_ =	shalt  }
0x7d: {  	_ =	shalt  }
0x7e: {  	_ =	shalt  }
0x7f: {  	_ =	shalt  }
0x80: {  	_ =	shalt  }
0x81: {  	_ =	shalt  }
0x82: {  	_ =	shalt  }
0x83: {  	_ =	shalt  }
0x84: {  	_ =	shalt  }
0x85: {  	_ =	shalt  }
0x86: {  	_ =	shalt  }
0x87: {  	_ =	shalt  }
.Lfunc_end0:
.L_simem_size_0:
called_computation_lowered:
.L_overlay_start_0:
0x88: {  	s2 =	sld [smem:$0x3FD9]  }
0x89: {  	s3 =	sld [smem:$0x3FFE];
	_ =	sdelay $0x1  }
0x8a: {  	s1 =	srdreg.scid  }
0x8b: {  	s0 =	sand.u32 $0x1, s1  }
0x8c: {  	s14 =	sshll.u32 s0, $0xA;
	s2 =	sadd.s32 s3, s2  }
0x8d: {  	s2 =	sadd.s32 s2, s14  }
0x8e: {  	[smem:$0x3FC2] =	sst s2  }
0x8f: {  	_ = 	snop  }
0x90: {  	s2 =	sld [smem:$0x3FC9]  }
0x91: {  	s15 =	sld [smem:$0x3FC7]  }
0x92: {  	s4 =	sld [smem:$0x3FD0]  }
0x93: {  	s5 =	sld [smem:$0x3FC6]  }
0x94: {  	s6 =	sld [smem:$0x3FC5]  }
0x95: {  	s8 =	simm.s32 $0xA;
	s9 =	simm.s32 $0x10;
	s7 =	sld [smem:$0x3FC4]  }
0x96: {  	[smem:s9], [sflag:s8] =	dma.local [hbm:s4], $0x1  }
0x97: {  	_ =	swait.eq [sflag:s8], $0x1  }
0x98: {  	[sflag:s8] =	ssyncset.done $0x0  }
0x99: {  	s16 =	sld [smem:$0x10];
	[sflag:s8] =	ssyncadd.s32 $0xFFFFFFFF  }
0x9a: {  	s17 =	sld [smem:$0x11];
	(tm) =	ssettm $0x1  }
0x9b: {  	s18 =	sld [smem:$0x3FFB];
	_ =	sdelay $0x3  }
0x9c: {  	_ =	strace s18  }
0x9d: {  	s9 =	sld [smem:$0x3FFC];
	_ =	sdelay $0x3  }
0x9e: {  	_ =	strace s9  }
0x9f: {  	s9 =	sld [smem:$0x3FFD];
	_ =	sdelay $0x3  }
0xa0: {  	_ =	strace s9  }
0xa1: {  	_ =	strace $0x8FFFFFFF  }
0xa2: {  	s19 =	sld [smem:$0x3FDB];
	_ =	sdelay $0x1  }
0xa3: {  	s10 =	simm.s32 $_scs_section_size  }
0xa4: {  	s11 =	simm.s32 $_size__tile_overlayer_lowered;
	s12 =	simm.s32 $_tile_overlayer_lowered  }
0xa5: {  	s22 =	simm.s32 $0x1BFF;
	s21 =	sshll.u32 s12, $0x1;
	s9 =	sadd.s32 s10, s19  }
0xa6: {  	s13 =	simm.s32 $0x0;
	s20 =	sshll.u32 s11, $0x1;
	s11 =	sadd.s32 s21, s9  }
0xa7: {  	[timem:s13], [sflag:s22] =	dma.local [hbm:s11], s20  }
0xa8: {  	_ =	swait.ge [sflag:s22], s20  }
0xa9: {  	s10 =	ssub.s32 $0x0, s20;
	[sflag:s22] =	ssyncset.done $0x0  }
0xaa: {  	[sflag:s22] =	ssyncadd.s32 s10;
	_ =	sdelay $0x1  }
0xab: {  	s23 =	simm.s32 $0x1B8B  }
0xac: {  	_ =	swait.ge [sflag:s23], $0x1  }
0xad: {  	[sflag:s23] =	ssyncset.done $0x0  }
0xae: {  	s25 =	simm.s32 $0x1B8E;
	s24 =	sld [smem:$0x3FFE];
	[sflag:s23] =	ssyncadd.s32 $0xFFFFFFFF  }
0xaf: {  	s26 =	simm.s32 $execute0_lowered;
	[smem:$0x3FD2] =	sst s25  }
0xb0: {  	s11 =	sshll.u32 s26, $0x1;
	_ =	strace $0x80000046;
	[dreg:$0x1] =	wrdreg $0xFFFFFFFF  }
0xb1: {  	s28 =	simm.s32 $_size_execute0_lowered;
	s9 =	sadd.s32 s9, s11;
	[dreg:$0x0] =	wrdreg $0x0  }
0xb2: {  	s11 =	sshll.u32 s28, $0x1;
	[dreg:$0x2] =	wrdreg s9  }
0xb3: {  	[dreg:$0x3] =	wrdreg s11  }
0xb4: {  	[dreg:$0x4] =	wrdreg $0xC0  }
0xb5: {  	_ =	task [dreg:s13], $0x5FFFF  }
0xb6: {  	[dreg:$0x1] =	wrdreg $0xFFFFFFFF  }
0xb7: {  	[dreg:$0x0] =	wrdreg $0x60  }
0xb8: {  	[dreg:$0x2] =	wrdreg s2  }
0xb9: {  	[dreg:$0x3] =	wrdreg s15  }
0xba: {  	[dreg:$0x4] =	wrdreg s7  }
0xbb: {  	[dreg:$0x5] =	wrdreg s5  }
0xbc: {  	[dreg:$0x6] =	wrdreg s6  }
0xbd: {  	[dreg:$0x7] =	wrdreg s16  }
0xbe: {  	[dreg:$0x8] =	wrdreg s24  }
0xbf: {  	[dreg:$0x9] =	wrdreg s17  }
0xc0: {  	[dreg:$0xa] =	wrdreg $0x9  }
0xc1: {  	_ =	task.clear_ibuf [dreg:s13], $0xBFFFF;
	_ =	strace $0x90000046  }
0xc2: {  	s29 =	simm.s32 $0x9;
	_ =	strace $0x80000048  }
0xc3: {  	_ =	swait.ge [sflag:s29], $0x1  }
0xc4: {  	[sflag:s29] =	ssyncadd.s32 $0xFFFFFFFF  }
0xc5: {  	_ =	strace $0x90000048  }
0xc6: {  	_ =	sfence  }
0xc7: {  	s30 =	sld [smem:$0x0];
	_ =	sdelay $0x2  }
0xc8: {  	s31 =	sshll.u32 s1, $0xD;
	s1 =	sshrl.u32 s1, $0x2  }
0xc9: {  	s3 =	sand.u32 $0x4000, s31;
	s1 =	sadd.s32 s1, s30  }
0xca: {  	s0 =	sor.u32 s3, s0;
	s1 =	sshll.u32 s1, $0x11  }
0xcb: {  	s0 =	sor.u32 s1, s0  }
0xcc: {  	s0 =	sadd.s32 $0x8F2B, s0  }
0xcd: {  	[sflag:s0] =	ssyncadd.remote.s32 $0x1  }
0xce: {  	_ =	sfence.sel $0xFFFF  }
0xcf: {  	[dreg:$0x0] =	wrdreg $0xFFFFFFFF;
	(pc) =	sbr.abs _section_cstart, $3  }
0xd0: {  	[dreg:$0x1] =	wrdreg $0xFFFFFFFF  }
0xd1: {  	_ =	task.clear_ibuf [dreg:s13], $0x2FFFF;
	_ =	strace $0x9FFFFFFF  }
0xd2: {  	(tm) =	ssettm $0x7FFFFFFF  }
0xd3: {  	_ =	shalt  }
tec
execute0_lowered:
.L_overlay_start_1:
0x0: {  	(tag) =	ssettag $0x1  }
0x1: {  	s0 =	rddreg [dreg:$0x0]  }
0x2: {  	s1 =	rddreg [dreg:$0x1]  }
0x3: {  	s3 =	rddreg [dreg:$0x2]  }
0x4: {  	s4 =	rddreg [dreg:$0x3]  }
0x5: {  	s5 =	rddreg [dreg:$0x4]  }
0x6: {  	s6 =	rddreg [dreg:$0x5]  }
0x7: {  	s12 =	rddreg [dreg:$0x6]  }
0x8: {  	s8 =	rddreg [dreg:$0x7]  }
0x9: {  	s2 =	rddreg [dreg:$0x8];
	s9 =	simm.s32 $0x0  }
0xa: {  	s10 =	srdreg.scid;
	s7 =	stileid.u32;
	s16 =	simm.s32 $0x400  }
0xb: {  	s17 =	simm.s32 $0x1000;
	s18 =	simm.s32 $0x2;
	s19 =	simm.s32 $0x80  }
0xc: {  	s20 =	simm.s32 $0x19700;
	s21 =	simm.s32 $0x200;
	s22 =	simm.s32 $0x0  }
.Ltmp0:
0xd: {  	[smem:$0x7FF] =	sst s9;
	s10 =	sand.u32 $0x1, s10;
	(pc) =	sbr.rel .LBB2_1-.Ltmp0, $4  }
0xe: {  	s11 =	sshll.u32 s7, $0x1;
	_ =	strace $0x80000047;
	s13 =	ssub.s32 $0x2, s10  }
0xf: {  	s10 =	sor.u32 s10, s11;
	s11 =	sadd.s32 $0x1000, s12;
	s14 =	sshrl.u32 s13, $0x1  }
0x10: {  	s12 =	sadd.s32 $0x1F000, s12;
	s15 =	sshll.u32 s10, $0x7;
	s14 =	ssub.s32 s13, s14  }
0x11: {  	s13 =	sand.u32 $0x380, s15;
	s15 =	simm.s32 $0x1;
	s14 =	smax.u32 s14, $0x1  }
.LBB2_18:
0x12: {  	s22 =	sadd.s32 $0x1, s22  }
0x13: {  	p0 =	sne.s32 s22, s14  }
.Ltmp1:
0x14: {  	_ = 	snop;
	(pc) =	sbr.rel @!p0 .LBB2_19-.Ltmp1, $1  }
0x15: {  	_ =	sdelay $0x3  }
.LBB2_1:
.Ltmp2:
0x16: {  	(pc) =	sbr.rel .LBB2_2-.Ltmp2, $4  }
0x17: {  	[tilespmem:s9], [sflag:$0x1] =	stream.linear.gather [hbm4b:s0+s9], $0x1000, $0x38;
	[tilespmem:$0x1A700] =	vst v63  }
0x18: {  	_ =	swait.ge [sflag:s15], $0x1000  }
0x19: {  	[sflag:s15] =	ssyncset.done $0x0  }
0x1a: {  	s23 =	simm.s32 $0x0;
	[sflag:s15] =	ssyncadd.s32 $0xFFFFF000  }
.LBB2_16:
0x1b: {  	[tilespmem:s25+$0x10] =	vst v0  }
0x1c: {  	[tilespmem:s25+$0x20] =	vst v1  }
0x1d: {  	[tilespmem:s25+$0x30] =	vst v2  }
0x1e: {  	[tilespmem:s25+$0x40] =	vst v3  }
0x1f: {  	[tilespmem:s25+$0x50] =	vst v4  }
0x20: {  	[tilespmem:s25+$0x60] =	vst v5;
	s24 =	sadd.s32 s12, s24  }
0x21: {  	[hbm4b:s24+s19] =	stream.strided.scatter [tilespmem:s20], [sflag:$0x1], $0x1000, s21, s19, $0x38;
	[tilespmem:$0x1A700] =	vst v63  }
0x22: {  	s24 =	simm.s32 $0x1  }
.LBB2_17:
0x23: {  	s23 =	sadd.s32 $0x1, s23  }
0x24: {  	p0 =	sne.s32 s23, $0x12  }
.Ltmp3:
0x25: {  	_ = 	snop;
	(pc) =	sbr.rel @!p0 .LBB2_18-.Ltmp3, $4  }
0x26: {  	_ = 	snop  }
0x27: {  	_ =	swait.ge [sflag:s24], $0x1000  }
0x28: {  	[sflag:s24] =	ssyncset.done $0x0  }
0x29: {  	[sflag:s24] =	ssyncadd.s32 $0xFFFFF000  }
.LBB2_2:
0x2a: {  	s24 =	sshll.u32 s23, $0x5  }
0x2b: {  	s25 =	sor.u32 s10, s24  }
0x2c: {  	p0 =	sgt.u32 s25, $0x117  }
.Ltmp4:
0x2d: {  	_ = 	snop;
	(pc) =	sbr.rel @p0 .LBB2_6-.Ltmp4, $1  }
0x2e: {  	_ =	sdelay $0x3  }
0x2f: {  	s24 =	smul.u32 $0xCCCD, s25;
	_ =	sdelay $0x1  }
0x30: {  	s24 =	sshrl.u32 s24, $0x15  }
0x31: {  	s26 =	smul.u32 $0xFFFFFFD8, s24;
	_ =	sdelay $0x1  }
0x32: {  	s30 =	sadd.s32 s25, s26  }
0x33: {  	s31 =	smul.u32 $0x3D1800, s24;
	s25 =	sshrl.u32 s30, $0x3  }
0x34: {  	s28 =	smul.u32 $0xC3800, s25;
	_ =	sdelay $0x1  }
0x35: {  	s26 =	sadd.s32 s31, s28  }
0x36: {  	s26 =	sor.u32 s13, s26  }
0x37: {  	s26 =	sshrl.u32 s26, $0x3  }
0x38: {  	s28 =	simm.s32 $0x80;
	s26 =	sadd.s32 s1, s26  }
0x39: {  	[tilespmem:s17], [sflag:$0x2] =	stream.strided.gather [hbm4b:s26+s28], $0x18700, s16, s28, $0x38;
	[tilespmem:$0x1A700] =	vst v63  }
0x3a: {  	_ =	swait.ge [sflag:s18], $0x18700  }
0x3b: {  	[sflag:s18] =	ssyncset.done $0x0  }
0x3c: {  	[sflag:s18] =	ssyncadd.s32 $0xFFFE7900  }
0x3d: {  	v0 =	vld [tilespmem:s28+$0x70]  }
0x3e: {  	v1 =	vld [tilespmem:s28+$0xFFFFFF90]  }
0x3f: {  	v2 =	vld [tilespmem:s28+$0xFFFFFFA0]  }
0x40: {  	v3 =	vld [tilespmem:s28+$0xFFFFFFB0]  }
0x41: {  	v4 =	vld [tilespmem:s28+$0xFFFFFFC0]  }
0x42: {  	v5 =	vld [tilespmem:s28+$0xFFFFFFD0]  }
0x43: {  	v6 =	vld [tilespmem:s28+$0xFFFFFFE0]  }
0x44: {  	v7 =	vld [tilespmem:s28+$0xFFFFFFF0]  }
0x45: {  	v8 =	vld [tilespmem:s28+$0x0]  }
0x46: {  	v9 =	vld [tilespmem:s28+$0x10]  }
0x47: {  	v10 =	vld [tilespmem:s28+$0x20]  }
0x48: {  	v11 =	vld [tilespmem:s28+$0x30]  }
0x49: {  	v12 =	vld [tilespmem:s28+$0x40]  }
0x4a: {  	v13 =	vld [tilespmem:s28+$0x50]  }
0x4b: {  	v14 =	vld [tilespmem:s28+$0x60]  }
0x4c: {  	v15 =	vld [tilespmem:s28+$0xFFFFFF80]  }
0x4d: {  	v0 =	vld.idx.msk [tilespmem:v0+s17+$0x0], $0xffff  }
0x4e: {  	v1 =	vld.idx.msk [tilespmem:v1+s17+$0x0], $0xffff  }
0x4f: {  	v2 =	vld.idx.msk [tilespmem:v2+s17+$0x0], $0xffff  }
0x50: {  	v3 =	vld.idx.msk [tilespmem:v3+s17+$0x0], $0xffff  }
0x51: {  	v4 =	vld.idx.msk [tilespmem:v4+s17+$0x0], $0xffff  }
0x52: {  	s26 =	simm.s32 $0x19780;
	v5 =	vld.idx.msk [tilespmem:v5+s17+$0x0], $0xffff  }
0x53: {  	v6 =	vld.idx.msk [tilespmem:v6+s17+$0x0], $0xffff;
	[tilespmem:s26+$0x70] =	vst v0  }
0x54: {  	v7 =	vld.idx.msk [tilespmem:v7+s17+$0x0], $0xffff;
	[tilespmem:s26+$0xFFFFFF90] =	vst v1  }
0x55: {  	v15 =	vld.idx.msk [tilespmem:v15+s17+$0x0], $0xffff;
	[tilespmem:s26+$0xFFFFFFA0] =	vst v2  }
0x56: {  	v8 =	vld.idx.msk [tilespmem:v8+s17+$0x0], $0xffff;
	[tilespmem:s26+$0xFFFFFFB0] =	vst v3  }
0x57: {  	[tilespmem:s26+$0xFFFFFFC0] =	vst v4;
	v4 =	vld.idx.msk [tilespmem:v9+s17+$0x0], $0xffff  }
0x58: {  	[tilespmem:s26+$0xFFFFFFD0] =	vst v5;
	v0 =	vld.idx.msk [tilespmem:v10+s17+$0x0], $0xffff  }
0x59: {  	[tilespmem:s26+$0xFFFFFFE0] =	vst v6;
	v1 =	vld.idx.msk [tilespmem:v11+s17+$0x0], $0xffff  }
0x5a: {  	[tilespmem:s26+$0xFFFFFFF0] =	vst v7;
	v2 =	vld.idx.msk [tilespmem:v12+s17+$0x0], $0xffff  }
0x5b: {  	[tilespmem:s26+$0xFFFFFF80] =	vst v15;
	v3 =	vld.idx.msk [tilespmem:v13+s17+$0x0], $0xffff  }
0x5c: {  	s29 =	simm.s32 $0x180;
	s28 =	simm.s32 $0x0;
	[tilespmem:s26+$0x0] =	vst v8;
	v5 =	vld.idx.msk [tilespmem:v14+s17+$0x0], $0xffff  }
.LBB2_4:
0x5d: {  	v6 =	vld [tilespmem:s29+$0x70];
	s28 =	sadd.s32 $0x100, s28;
	[tilespmem:s26+$0x10] =	vst v4  }
0x5e: {  	v4 =	vld [tilespmem:s29+$0xFFFFFF90];
	p0 =	slt.u32 s28, $0xF00;
	[tilespmem:s26+$0x20] =	vst v0  }
0x5f: {  	v0 =	vld [tilespmem:s29+$0xFFFFFFA0];
	[tilespmem:s26+$0x30] =	vst v1  }
0x60: {  	v1 =	vld [tilespmem:s29+$0xFFFFFFB0];
	[tilespmem:s26+$0x40] =	vst v2  }
0x61: {  	v2 =	vld [tilespmem:s29+$0xFFFFFFC0];
	[tilespmem:s26+$0x50] =	vst v3  }
0x62: {  	v3 =	vld [tilespmem:s29+$0xFFFFFFD0];
	[tilespmem:s26+$0x60] =	vst v5  }
0x63: {  	v5 =	vld [tilespmem:s29+$0xFFFFFFE0]  }
0x64: {  	v7 =	vld [tilespmem:s29+$0xFFFFFFF0]  }
0x65: {  	v6 =	vld.idx.msk [tilespmem:v6+s17+$0x0], $0xffff  }
0x66: {  	v8 =	vld [tilespmem:s29+$0x0]  }
0x67: {  	v9 =	vld [tilespmem:s29+$0x10]  }
0x68: {  	v10 =	vld [tilespmem:s29+$0x20]  }
0x69: {  	v11 =	vld [tilespmem:s29+$0x30]  }
0x6a: {  	s26 =	sadd.s32 $0x100, s26;
	v12 =	vld [tilespmem:s29+$0x40]  }
0x6b: {  	v13 =	vld [tilespmem:s29+$0x50];
	[tilespmem:s26+$0x70] =	vst v6  }
0x6c: {  	v6 =	vld [tilespmem:s29+$0x60]  }
0x6d: {  	v14 =	vld [tilespmem:s29+$0xFFFFFF80]  }
0x6e: {  	v4 =	vld.idx.msk [tilespmem:v4+s17+$0x0], $0xffff  }
0x6f: {  	v0 =	vld.idx.msk [tilespmem:v0+s17+$0x0], $0xffff  }
0x70: {  	v1 =	vld.idx.msk [tilespmem:v1+s17+$0x0], $0xffff  }
0x71: {  	v2 =	vld.idx.msk [tilespmem:v2+s17+$0x0], $0xffff  }
0x72: {  	v3 =	vld.idx.msk [tilespmem:v3+s17+$0x0], $0xffff  }
0x73: {  	v5 =	vld.idx.msk [tilespmem:v5+s17+$0x0], $0xffff  }
0x74: {  	[tilespmem:s26+$0xFFFFFF90] =	vst v4;
	v7 =	vld.idx.msk [tilespmem:v7+s17+$0x0], $0xffff  }
0x75: {  	v14 =	vld.idx.msk [tilespmem:v14+s17+$0x0], $0xffff;
	[tilespmem:s26+$0xFFFFFFA0] =	vst v0  }
0x76: {  	[tilespmem:s26+$0xFFFFFFB0] =	vst v1;
	v8 =	vld.idx.msk [tilespmem:v8+s17+$0x0], $0xffff  }
0x77: {  	[tilespmem:s26+$0xFFFFFFC0] =	vst v2;
	v4 =	vld.idx.msk [tilespmem:v9+s17+$0x0], $0xffff  }
.Ltmp5:
0x78: {  	[tilespmem:s26+$0xFFFFFFD0] =	vst v3;
	v0 =	vld.idx.msk [tilespmem:v10+s17+$0x0], $0xffff;
	(pc) =	sbr.rel @p0 .LBB2_4-.Ltmp5, $4  }
0x79: {  	[tilespmem:s26+$0xFFFFFFE0] =	vst v5;
	v1 =	vld.idx.msk [tilespmem:v11+s17+$0x0], $0xffff  }
0x7a: {  	[tilespmem:s26+$0xFFFFFFF0] =	vst v7;
	v2 =	vld.idx.msk [tilespmem:v12+s17+$0x0], $0xffff  }
0x7b: {  	[tilespmem:s26+$0xFFFFFF80] =	vst v14;
	v3 =	vld.idx.msk [tilespmem:v13+s17+$0x0], $0xffff  }
0x7c: {  	s29 =	sadd.s32 $0x100, s29;
	[tilespmem:s26+$0x0] =	vst v8;
	v5 =	vld.idx.msk [tilespmem:v6+s17+$0x0], $0xffff  }
0x7d: {  	[tilespmem:s26+$0x10] =	vst v4;
	s24 =	smul.u32 $0x28000, s24  }
0x7e: {  	[tilespmem:s26+$0x20] =	vst v0;
	s25 =	sshll.u32 s25, $0xF  }
0x7f: {  	[tilespmem:s26+$0x30] =	vst v1;
	s24 =	sadd.s32 s24, s25  }
.Ltmp6:
0x80: {  	[tilespmem:s26+$0x40] =	vst v2;
	s24 =	sor.u32 s13, s24;
	(pc) =	sbr.rel .LBB2_17-.Ltmp6, $4  }
0x81: {  	[tilespmem:s26+$0x50] =	vst v3;
	s24 =	sshrl.u32 s24, $0x3  }
0x82: {  	[tilespmem:s26+$0x60] =	vst v5;
	s24 =	sadd.s32 s6, s24  }
0x83: {  	[hbm4b:s24+s19] =	stream.strided.scatter [tilespmem:s20], [sflag:$0x2], $0x1000, s16, s19, $0x38;
	[tilespmem:$0x1A700] =	vst v63  }
0x84: {  	s24 =	simm.s32 $0x2  }
.LBB2_6:
0x85: {  	s26 =	sadd.s32 $0xFFFFFEE8, s25  }
0x86: {  	p0 =	sgt.u32 s26, $0xEF  }
.Ltmp7:
0x87: {  	_ = 	snop;
	(pc) =	sbr.rel @p0 .LBB2_10-.Ltmp7, $1  }
0x88: {  	_ =	sdelay $0x3  }
0x89: {  	s24 =	smul.u32 $0xFFFFFFCD, s26;
	_ =	sdelay $0x1  }
0x8a: {  	s28 =	sand.u32 $0xF8, s24  }
0x8b: {  	s24 =	sshll.u32 s24, $0x5;
	s28 =	sshrl.u32 s28, $0x3  }
0x8c: {  	s24 =	sor.u32 s24, s28  }
0x8d: {  	s24 =	sand.u32 $0xFF, s24  }
0x8e: {  	p0 =	seq.s32 s25, $0x118;
	s28 =	smul.u32 $0xCD, s26;
	p1 =	sgt.u32 s24, $0x6  }
0x8f: {  	p0 =	por !p0, !p1  }
0x90: {  	s25 =	simm.s32 $0x1;
	s30 =	sshrl.u32 s28, $0xD;
	p0 =	por !p0, !p0  }
0x91: {  	s24 =	sand.u32 $0x7, s30;
	s25 =	simm.s32 @!p0 $0x0  }
0x92: {  	s24 =	ssub.s32 s24, s25  }
0x93: {  	s25 =	smul.u32 $0xFFFFFFD8, s24;
	_ =	sdelay $0x1  }
0x94: {  	s25 =	sadd.s32 s26, s25  }
0x95: {  	s31 =	smul.u32 $0x3D1800, s24;
	s25 =	sshrl.u32 s25, $0x3  }
0x96: {  	s28 =	smul.u32 $0xC3800, s25;
	_ =	sdelay $0x1  }
0x97: {  	s26 =	sadd.s32 s31, s28  }
0x98: {  	s26 =	sor.u32 s13, s26  }
0x99: {  	s26 =	sshrl.u32 s26, $0x3  }
0x9a: {  	s28 =	simm.s32 $0x80;
	s26 =	sadd.s32 s3, s26  }
0x9b: {  	[tilespmem:s17], [sflag:$0x2] =	stream.strided.gather [hbm4b:s26+s28], $0x18700, s16, s28, $0x38;
	[tilespmem:$0x1A700] =	vst v63  }
0x9c: {  	_ =	swait.ge [sflag:s18], $0x18700  }
0x9d: {  	[sflag:s18] =	ssyncset.done $0x0  }
0x9e: {  	[sflag:s18] =	ssyncadd.s32 $0xFFFE7900  }
0x9f: {  	v0 =	vld [tilespmem:s28+$0x70]  }
0xa0: {  	v1 =	vld [tilespmem:s28+$0xFFFFFF90]  }
0xa1: {  	v2 =	vld [tilespmem:s28+$0xFFFFFFA0]  }
0xa2: {  	v3 =	vld [tilespmem:s28+$0xFFFFFFB0]  }
0xa3: {  	v4 =	vld [tilespmem:s28+$0xFFFFFFC0]  }
0xa4: {  	v5 =	vld [tilespmem:s28+$0xFFFFFFD0]  }
0xa5: {  	v6 =	vld [tilespmem:s28+$0xFFFFFFE0]  }
0xa6: {  	v7 =	vld [tilespmem:s28+$0xFFFFFFF0]  }
0xa7: {  	v8 =	vld [tilespmem:s28+$0x0]  }
0xa8: {  	v9 =	vld [tilespmem:s28+$0x10]  }
0xa9: {  	v10 =	vld [tilespmem:s28+$0x20]  }
0xaa: {  	v11 =	vld [tilespmem:s28+$0x30]  }
0xab: {  	v12 =	vld [tilespmem:s28+$0x40]  }
0xac: {  	v13 =	vld [tilespmem:s28+$0x50]  }
0xad: {  	v14 =	vld [tilespmem:s28+$0x60]  }
0xae: {  	v15 =	vld [tilespmem:s28+$0xFFFFFF80]  }
0xaf: {  	v0 =	vld.idx.msk [tilespmem:v0+s17+$0x0], $0xffff  }
0xb0: {  	v1 =	vld.idx.msk [tilespmem:v1+s17+$0x0], $0xffff  }
0xb1: {  	v2 =	vld.idx.msk [tilespmem:v2+s17+$0x0], $0xffff  }
0xb2: {  	v3 =	vld.idx.msk [tilespmem:v3+s17+$0x0], $0xffff  }
0xb3: {  	v4 =	vld.idx.msk [tilespmem:v4+s17+$0x0], $0xffff  }
0xb4: {  	s26 =	simm.s32 $0x19780;
	v5 =	vld.idx.msk [tilespmem:v5+s17+$0x0], $0xffff  }
0xb5: {  	v6 =	vld.idx.msk [tilespmem:v6+s17+$0x0], $0xffff;
	[tilespmem:s26+$0x70] =	vst v0  }
0xb6: {  	v7 =	vld.idx.msk [tilespmem:v7+s17+$0x0], $0xffff;
	[tilespmem:s26+$0xFFFFFF90] =	vst v1  }
0xb7: {  	v15 =	vld.idx.msk [tilespmem:v15+s17+$0x0], $0xffff;
	[tilespmem:s26+$0xFFFFFFA0] =	vst v2  }
0xb8: {  	v8 =	vld.idx.msk [tilespmem:v8+s17+$0x0], $0xffff;
	[tilespmem:s26+$0xFFFFFFB0] =	vst v3  }
0xb9: {  	[tilespmem:s26+$0xFFFFFFC0] =	vst v4;
	v4 =	vld.idx.msk [tilespmem:v9+s17+$0x0], $0xffff  }
0xba: {  	[tilespmem:s26+$0xFFFFFFD0] =	vst v5;
	v0 =	vld.idx.msk [tilespmem:v10+s17+$0x0], $0xffff  }
0xbb: {  	[tilespmem:s26+$0xFFFFFFE0] =	vst v6;
	v1 =	vld.idx.msk [tilespmem:v11+s17+$0x0], $0xffff  }
0xbc: {  	[tilespmem:s26+$0xFFFFFFF0] =	vst v7;
	v2 =	vld.idx.msk [tilespmem:v12+s17+$0x0], $0xffff  }
0xbd: {  	[tilespmem:s26+$0xFFFFFF80] =	vst v15;
	v3 =	vld.idx.msk [tilespmem:v13+s17+$0x0], $0xffff  }
0xbe: {  	s29 =	simm.s32 $0x180;
	s28 =	simm.s32 $0x0;
	[tilespmem:s26+$0x0] =	vst v8;
	v5 =	vld.idx.msk [tilespmem:v14+s17+$0x0], $0xffff  }
.LBB2_8:
0xbf: {  	v6 =	vld [tilespmem:s29+$0x70];
	s28 =	sadd.s32 $0x100, s28;
	[tilespmem:s26+$0x10] =	vst v4  }
0xc0: {  	v4 =	vld [tilespmem:s29+$0xFFFFFF90];
	p0 =	slt.u32 s28, $0xF00;
	[tilespmem:s26+$0x20] =	vst v0  }
0xc1: {  	v0 =	vld [tilespmem:s29+$0xFFFFFFA0];
	[tilespmem:s26+$0x30] =	vst v1  }
0xc2: {  	v1 =	vld [tilespmem:s29+$0xFFFFFFB0];
	[tilespmem:s26+$0x40] =	vst v2  }
0xc3: {  	v2 =	vld [tilespmem:s29+$0xFFFFFFC0];
	[tilespmem:s26+$0x50] =	vst v3  }
0xc4: {  	v3 =	vld [tilespmem:s29+$0xFFFFFFD0];
	[tilespmem:s26+$0x60] =	vst v5  }
0xc5: {  	v5 =	vld [tilespmem:s29+$0xFFFFFFE0]  }
0xc6: {  	v7 =	vld [tilespmem:s29+$0xFFFFFFF0]  }
0xc7: {  	v6 =	vld.idx.msk [tilespmem:v6+s17+$0x0], $0xffff  }
0xc8: {  	v8 =	vld [tilespmem:s29+$0x0]  }
0xc9: {  	v9 =	vld [tilespmem:s29+$0x10]  }
0xca: {  	v10 =	vld [tilespmem:s29+$0x20]  }
0xcb: {  	v11 =	vld [tilespmem:s29+$0x30]  }
0xcc: {  	s26 =	sadd.s32 $0x100, s26;
	v12 =	vld [tilespmem:s29+$0x40]  }
0xcd: {  	v13 =	vld [tilespmem:s29+$0x50];
	[tilespmem:s26+$0x70] =	vst v6  }
0xce: {  	v6 =	vld [tilespmem:s29+$0x60]  }
0xcf: {  	v14 =	vld [tilespmem:s29+$0xFFFFFF80]  }
0xd0: {  	v4 =	vld.idx.msk [tilespmem:v4+s17+$0x0], $0xffff  }
0xd1: {  	v0 =	vld.idx.msk [tilespmem:v0+s17+$0x0], $0xffff  }
0xd2: {  	v1 =	vld.idx.msk [tilespmem:v1+s17+$0x0], $0xffff  }
0xd3: {  	v2 =	vld.idx.msk [tilespmem:v2+s17+$0x0], $0xffff  }
0xd4: {  	v3 =	vld.idx.msk [tilespmem:v3+s17+$0x0], $0xffff  }
0xd5: {  	v5 =	vld.idx.msk [tilespmem:v5+s17+$0x0], $0xffff  }
0xd6: {  	[tilespmem:s26+$0xFFFFFF90] =	vst v4;
	v7 =	vld.idx.msk [tilespmem:v7+s17+$0x0], $0xffff  }
0xd7: {  	v14 =	vld.idx.msk [tilespmem:v14+s17+$0x0], $0xffff;
	[tilespmem:s26+$0xFFFFFFA0] =	vst v0  }
0xd8: {  	[tilespmem:s26+$0xFFFFFFB0] =	vst v1;
	v8 =	vld.idx.msk [tilespmem:v8+s17+$0x0], $0xffff  }
0xd9: {  	[tilespmem:s26+$0xFFFFFFC0] =	vst v2;
	v4 =	vld.idx.msk [tilespmem:v9+s17+$0x0], $0xffff  }
.Ltmp8:
0xda: {  	[tilespmem:s26+$0xFFFFFFD0] =	vst v3;
	v0 =	vld.idx.msk [tilespmem:v10+s17+$0x0], $0xffff;
	(pc) =	sbr.rel @p0 .LBB2_8-.Ltmp8, $4  }
0xdb: {  	[tilespmem:s26+$0xFFFFFFE0] =	vst v5;
	v1 =	vld.idx.msk [tilespmem:v11+s17+$0x0], $0xffff  }
0xdc: {  	[tilespmem:s26+$0xFFFFFFF0] =	vst v7;
	v2 =	vld.idx.msk [tilespmem:v12+s17+$0x0], $0xffff  }
0xdd: {  	[tilespmem:s26+$0xFFFFFF80] =	vst v14;
	v3 =	vld.idx.msk [tilespmem:v13+s17+$0x0], $0xffff  }
0xde: {  	s29 =	sadd.s32 $0x100, s29;
	[tilespmem:s26+$0x0] =	vst v8;
	v5 =	vld.idx.msk [tilespmem:v6+s17+$0x0], $0xffff  }
0xdf: {  	[tilespmem:s26+$0x10] =	vst v4;
	s24 =	smul.u32 $0x28000, s24  }
0xe0: {  	[tilespmem:s26+$0x20] =	vst v0;
	s25 =	sshll.u32 s25, $0xF  }
0xe1: {  	[tilespmem:s26+$0x30] =	vst v1;
	s24 =	sadd.s32 s24, s25  }
.Ltmp9:
0xe2: {  	[tilespmem:s26+$0x40] =	vst v2;
	s24 =	sor.u32 s13, s24;
	(pc) =	sbr.rel .LBB2_17-.Ltmp9, $4  }
0xe3: {  	[tilespmem:s26+$0x50] =	vst v3;
	s24 =	sshrl.u32 s24, $0x3  }
0xe4: {  	[tilespmem:s26+$0x60] =	vst v5;
	s24 =	sadd.s32 s11, s24  }
0xe5: {  	[hbm4b:s24+s19] =	stream.strided.scatter [tilespmem:s20], [sflag:$0x2], $0x1000, s16, s19, $0x38;
	[tilespmem:$0x1A700] =	vst v63  }
0xe6: {  	s24 =	simm.s32 $0x2  }
.LBB2_10:
0xe7: {  	s24 =	sadd.s32 $0xFFFFFDF8, s25  }
0xe8: {  	p0 =	sgt.u32 s24, $0x27  }
.Ltmp10:
0xe9: {  	_ = 	snop;
	(pc) =	sbr.rel @p0 .LBB2_14-.Ltmp10, $1  }
0xea: {  	_ =	sdelay $0x3  }
0xeb: {  	s24 =	sshrl.u32 s24, $0x3  }
0xec: {  	s25 =	smul.u32 $0xC3800, s24;
	_ =	sdelay $0x1  }
0xed: {  	s25 =	sor.u32 s13, s25  }
0xee: {  	s25 =	sshrl.u32 s25, $0x3  }
0xef: {  	s26 =	simm.s32 $0x80;
	s25 =	sadd.s32 s4, s25  }
0xf0: {  	[tilespmem:s17], [sflag:$0x2] =	stream.strided.gather [hbm4b:s25+s26], $0x18700, s16, s26, $0x38;
	[tilespmem:$0x1A700] =	vst v63  }
0xf1: {  	_ =	swait.ge [sflag:s18], $0x18700  }
0xf2: {  	[sflag:s18] =	ssyncset.done $0x0  }
0xf3: {  	[sflag:s18] =	ssyncadd.s32 $0xFFFE7900  }
0xf4: {  	v0 =	vld [tilespmem:s26+$0x70]  }
0xf5: {  	v1 =	vld [tilespmem:s26+$0xFFFFFF90]  }
0xf6: {  	v2 =	vld [tilespmem:s26+$0xFFFFFFA0]  }
0xf7: {  	v3 =	vld [tilespmem:s26+$0xFFFFFFB0]  }
0xf8: {  	v4 =	vld [tilespmem:s26+$0xFFFFFFC0]  }
0xf9: {  	v5 =	vld [tilespmem:s26+$0xFFFFFFD0]  }
0xfa: {  	v6 =	vld [tilespmem:s26+$0xFFFFFFE0]  }
0xfb: {  	v7 =	vld [tilespmem:s26+$0xFFFFFFF0]  }
0xfc: {  	v8 =	vld [tilespmem:s26+$0x0]  }
0xfd: {  	v9 =	vld [tilespmem:s26+$0x10]  }
0xfe: {  	v10 =	vld [tilespmem:s26+$0x20]  }
0xff: {  	v11 =	vld [tilespmem:s26+$0x30]  }
0x100: {  	v12 =	vld [tilespmem:s26+$0x40]  }
0x101: {  	v13 =	vld [tilespmem:s26+$0x50]  }
0x102: {  	v14 =	vld [tilespmem:s26+$0x60]  }
0x103: {  	v15 =	vld [tilespmem:s26+$0xFFFFFF80]  }
0x104: {  	v0 =	vld.idx.msk [tilespmem:v0+s17+$0x0], $0xffff  }
0x105: {  	v1 =	vld.idx.msk [tilespmem:v1+s17+$0x0], $0xffff  }
0x106: {  	v2 =	vld.idx.msk [tilespmem:v2+s17+$0x0], $0xffff  }
0x107: {  	v3 =	vld.idx.msk [tilespmem:v3+s17+$0x0], $0xffff  }
0x108: {  	v4 =	vld.idx.msk [tilespmem:v4+s17+$0x0], $0xffff  }
0x109: {  	s25 =	simm.s32 $0x19780;
	v5 =	vld.idx.msk [tilespmem:v5+s17+$0x0], $0xffff  }
0x10a: {  	v6 =	vld.idx.msk [tilespmem:v6+s17+$0x0], $0xffff;
	[tilespmem:s25+$0x70] =	vst v0  }
0x10b: {  	v7 =	vld.idx.msk [tilespmem:v7+s17+$0x0], $0xffff;
	[tilespmem:s25+$0xFFFFFF90] =	vst v1  }
0x10c: {  	v15 =	vld.idx.msk [tilespmem:v15+s17+$0x0], $0xffff;
	[tilespmem:s25+$0xFFFFFFA0] =	vst v2  }
0x10d: {  	v8 =	vld.idx.msk [tilespmem:v8+s17+$0x0], $0xffff;
	[tilespmem:s25+$0xFFFFFFB0] =	vst v3  }
0x10e: {  	[tilespmem:s25+$0xFFFFFFC0] =	vst v4;
	v0 =	vld.idx.msk [tilespmem:v9+s17+$0x0], $0xffff  }
0x10f: {  	[tilespmem:s25+$0xFFFFFFD0] =	vst v5;
	v1 =	vld.idx.msk [tilespmem:v10+s17+$0x0], $0xffff  }
0x110: {  	[tilespmem:s25+$0xFFFFFFE0] =	vst v6;
	v2 =	vld.idx.msk [tilespmem:v11+s17+$0x0], $0xffff  }
0x111: {  	[tilespmem:s25+$0xFFFFFFF0] =	vst v7;
	v3 =	vld.idx.msk [tilespmem:v12+s17+$0x0], $0xffff  }
0x112: {  	[tilespmem:s25+$0xFFFFFF80] =	vst v15;
	v4 =	vld.idx.msk [tilespmem:v13+s17+$0x0], $0xffff  }
0x113: {  	s28 =	simm.s32 $0x180;
	s26 =	simm.s32 $0x0;
	[tilespmem:s25+$0x0] =	vst v8;
	v5 =	vld.idx.msk [tilespmem:v14+s17+$0x0], $0xffff  }
.LBB2_12:
0x114: {  	v6 =	vld [tilespmem:s28+$0x70];
	s26 =	sadd.s32 $0x100, s26;
	[tilespmem:s25+$0x10] =	vst v0  }
0x115: {  	v0 =	vld [tilespmem:s28+$0xFFFFFF90];
	p0 =	slt.u32 s26, $0xF00;
	[tilespmem:s25+$0x20] =	vst v1  }
0x116: {  	v1 =	vld [tilespmem:s28+$0xFFFFFFA0];
	[tilespmem:s25+$0x30] =	vst v2  }
0x117: {  	v2 =	vld [tilespmem:s28+$0xFFFFFFB0];
	[tilespmem:s25+$0x40] =	vst v3  }
0x118: {  	v3 =	vld [tilespmem:s28+$0xFFFFFFC0];
	[tilespmem:s25+$0x50] =	vst v4  }
0x119: {  	v4 =	vld [tilespmem:s28+$0xFFFFFFD0];
	[tilespmem:s25+$0x60] =	vst v5  }
0x11a: {  	v5 =	vld [tilespmem:s28+$0xFFFFFFE0]  }
0x11b: {  	v7 =	vld [tilespmem:s28+$0xFFFFFFF0]  }
0x11c: {  	v6 =	vld.idx.msk [tilespmem:v6+s17+$0x0], $0xffff  }
0x11d: {  	v8 =	vld [tilespmem:s28+$0x0]  }
0x11e: {  	v9 =	vld [tilespmem:s28+$0x10]  }
0x11f: {  	v10 =	vld [tilespmem:s28+$0x20]  }
0x120: {  	v11 =	vld [tilespmem:s28+$0x30]  }
0x121: {  	s25 =	sadd.s32 $0x100, s25;
	v12 =	vld [tilespmem:s28+$0x40]  }
0x122: {  	v13 =	vld [tilespmem:s28+$0x50];
	[tilespmem:s25+$0x70] =	vst v6  }
0x123: {  	v6 =	vld [tilespmem:s28+$0x60]  }
0x124: {  	v14 =	vld [tilespmem:s28+$0xFFFFFF80]  }
0x125: {  	v0 =	vld.idx.msk [tilespmem:v0+s17+$0x0], $0xffff  }
0x126: {  	v1 =	vld.idx.msk [tilespmem:v1+s17+$0x0], $0xffff  }
0x127: {  	v2 =	vld.idx.msk [tilespmem:v2+s17+$0x0], $0xffff  }
0x128: {  	v3 =	vld.idx.msk [tilespmem:v3+s17+$0x0], $0xffff  }
0x129: {  	v4 =	vld.idx.msk [tilespmem:v4+s17+$0x0], $0xffff  }
0x12a: {  	v5 =	vld.idx.msk [tilespmem:v5+s17+$0x0], $0xffff  }
0x12b: {  	[tilespmem:s25+$0xFFFFFF90] =	vst v0;
	v7 =	vld.idx.msk [tilespmem:v7+s17+$0x0], $0xffff  }
0x12c: {  	v14 =	vld.idx.msk [tilespmem:v14+s17+$0x0], $0xffff;
	[tilespmem:s25+$0xFFFFFFA0] =	vst v1  }
0x12d: {  	[tilespmem:s25+$0xFFFFFFB0] =	vst v2;
	v8 =	vld.idx.msk [tilespmem:v8+s17+$0x0], $0xffff  }
0x12e: {  	[tilespmem:s25+$0xFFFFFFC0] =	vst v3;
	v0 =	vld.idx.msk [tilespmem:v9+s17+$0x0], $0xffff  }
.Ltmp11:
0x12f: {  	[tilespmem:s25+$0xFFFFFFD0] =	vst v4;
	v1 =	vld.idx.msk [tilespmem:v10+s17+$0x0], $0xffff;
	(pc) =	sbr.rel @p0 .LBB2_12-.Ltmp11, $4  }
0x130: {  	[tilespmem:s25+$0xFFFFFFE0] =	vst v5;
	v2 =	vld.idx.msk [tilespmem:v11+s17+$0x0], $0xffff  }
0x131: {  	[tilespmem:s25+$0xFFFFFFF0] =	vst v7;
	v3 =	vld.idx.msk [tilespmem:v12+s17+$0x0], $0xffff  }
0x132: {  	[tilespmem:s25+$0xFFFFFF80] =	vst v14;
	v4 =	vld.idx.msk [tilespmem:v13+s17+$0x0], $0xffff  }
0x133: {  	s28 =	sadd.s32 $0x100, s28;
	[tilespmem:s25+$0x0] =	vst v8;
	v5 =	vld.idx.msk [tilespmem:v6+s17+$0x0], $0xffff  }
0x134: {  	[tilespmem:s25+$0x10] =	vst v0  }
0x135: {  	[tilespmem:s25+$0x20] =	vst v1  }
0x136: {  	s24 =	sshll.u32 s24, $0xF;
	[tilespmem:s25+$0x30] =	vst v2  }
.Ltmp12:
0x137: {  	s24 =	sor.u32 s13, s24;
	[tilespmem:s25+$0x40] =	vst v3;
	(pc) =	sbr.rel .LBB2_17-.Ltmp12, $4  }
0x138: {  	s24 =	sshrl.u32 s24, $0x3;
	[tilespmem:s25+$0x50] =	vst v4  }
0x139: {  	s24 =	sadd.s32 s8, s24;
	[tilespmem:s25+$0x60] =	vst v5  }
0x13a: {  	[hbm4b:s24+s19] =	stream.strided.scatter [tilespmem:s20], [sflag:$0x2], $0x1000, s16, s19, $0x38;
	[tilespmem:$0x1A700] =	vst v63  }
0x13b: {  	s24 =	simm.s32 $0x2  }
.LBB2_14:
0x13c: {  	s24 =	smin.u32 s25, $0x232  }
0x13d: {  	s24 =	sshll.u32 s24, $0x4  }
0x13e: {  	s24 =	sand.u32 $0x30, s24  }
0x13f: {  	s26 =	simm.s32 $0x80;
	s31 =	sadd.s32 s5, s24  }
0x140: {  	[tilespmem:s17], [sflag:$0x2] =	stream.strided.gather [hbm4b:s31+s26], $0x18700, s21, s26, $0x38;
	[tilespmem:$0x1A700] =	vst v63  }
0x141: {  	_ =	swait.ge [sflag:s18], $0x18700  }
0x142: {  	[sflag:s18] =	ssyncset.done $0x0  }
0x143: {  	[sflag:s18] =	ssyncadd.s32 $0xFFFE7900  }
0x144: {  	v0 =	vld [tilespmem:s26+$0x70]  }
0x145: {  	v1 =	vld [tilespmem:s26+$0xFFFFFF90]  }
0x146: {  	v2 =	vld [tilespmem:s26+$0xFFFFFFA0]  }
0x147: {  	v3 =	vld [tilespmem:s26+$0xFFFFFFB0]  }
0x148: {  	v4 =	vld [tilespmem:s26+$0xFFFFFFC0]  }
0x149: {  	v5 =	vld [tilespmem:s26+$0xFFFFFFD0]  }
0x14a: {  	v6 =	vld [tilespmem:s26+$0xFFFFFFE0]  }
0x14b: {  	v7 =	vld [tilespmem:s26+$0xFFFFFFF0]  }
0x14c: {  	v8 =	vld [tilespmem:s26+$0x0]  }
0x14d: {  	v9 =	vld [tilespmem:s26+$0x10]  }
0x14e: {  	v10 =	vld [tilespmem:s26+$0x20]  }
0x14f: {  	v11 =	vld [tilespmem:s26+$0x30]  }
0x150: {  	v12 =	vld [tilespmem:s26+$0x40]  }
0x151: {  	v13 =	vld [tilespmem:s26+$0x50]  }
0x152: {  	v14 =	vld [tilespmem:s26+$0x60]  }
0x153: {  	v15 =	vld [tilespmem:s26+$0xFFFFFF80]  }
0x154: {  	v0 =	vld.idx.msk [tilespmem:v0+s17+$0x0], $0xffff  }
0x155: {  	v1 =	vld.idx.msk [tilespmem:v1+s17+$0x0], $0xffff  }
0x156: {  	v2 =	vld.idx.msk [tilespmem:v2+s17+$0x0], $0xffff  }
0x157: {  	v3 =	vld.idx.msk [tilespmem:v3+s17+$0x0], $0xffff  }
0x158: {  	v4 =	vld.idx.msk [tilespmem:v4+s17+$0x0], $0xffff  }
0x159: {  	s25 =	simm.s32 $0x19780;
	v5 =	vld.idx.msk [tilespmem:v5+s17+$0x0], $0xffff  }
0x15a: {  	v6 =	vld.idx.msk [tilespmem:v6+s17+$0x0], $0xffff;
	[tilespmem:s25+$0x70] =	vst v0  }
0x15b: {  	v7 =	vld.idx.msk [tilespmem:v7+s17+$0x0], $0xffff;
	[tilespmem:s25+$0xFFFFFF90] =	vst v1  }
0x15c: {  	v15 =	vld.idx.msk [tilespmem:v15+s17+$0x0], $0xffff;
	[tilespmem:s25+$0xFFFFFFA0] =	vst v2  }
0x15d: {  	v8 =	vld.idx.msk [tilespmem:v8+s17+$0x0], $0xffff;
	[tilespmem:s25+$0xFFFFFFB0] =	vst v3  }
0x15e: {  	[tilespmem:s25+$0xFFFFFFC0] =	vst v4;
	v0 =	vld.idx.msk [tilespmem:v9+s17+$0x0], $0xffff  }
0x15f: {  	[tilespmem:s25+$0xFFFFFFD0] =	vst v5;
	v1 =	vld.idx.msk [tilespmem:v10+s17+$0x0], $0xffff  }
0x160: {  	[tilespmem:s25+$0xFFFFFFE0] =	vst v6;
	v2 =	vld.idx.msk [tilespmem:v11+s17+$0x0], $0xffff  }
0x161: {  	[tilespmem:s25+$0xFFFFFFF0] =	vst v7;
	v3 =	vld.idx.msk [tilespmem:v12+s17+$0x0], $0xffff  }
0x162: {  	[tilespmem:s25+$0xFFFFFF80] =	vst v15;
	v4 =	vld.idx.msk [tilespmem:v13+s17+$0x0], $0xffff  }
0x163: {  	s28 =	simm.s32 $0x180;
	s26 =	simm.s32 $0x0;
	[tilespmem:s25+$0x0] =	vst v8;
	v5 =	vld.idx.msk [tilespmem:v14+s17+$0x0], $0xffff  }
.LBB2_15:
0x164: {  	v6 =	vld [tilespmem:s28+$0x70];
	s26 =	sadd.s32 $0x100, s26;
	[tilespmem:s25+$0x10] =	vst v0  }
0x165: {  	v0 =	vld [tilespmem:s28+$0xFFFFFF90];
	p0 =	slt.u32 s26, $0xF00;
	[tilespmem:s25+$0x20] =	vst v1  }
0x166: {  	v1 =	vld [tilespmem:s28+$0xFFFFFFA0];
	[tilespmem:s25+$0x30] =	vst v2  }
0x167: {  	v2 =	vld [tilespmem:s28+$0xFFFFFFB0];
	[tilespmem:s25+$0x40] =	vst v3  }
0x168: {  	v3 =	vld [tilespmem:s28+$0xFFFFFFC0];
	[tilespmem:s25+$0x50] =	vst v4  }
0x169: {  	v4 =	vld [tilespmem:s28+$0xFFFFFFD0];
	[tilespmem:s25+$0x60] =	vst v5  }
0x16a: {  	v5 =	vld [tilespmem:s28+$0xFFFFFFE0]  }
0x16b: {  	v7 =	vld [tilespmem:s28+$0xFFFFFFF0]  }
0x16c: {  	v6 =	vld.idx.msk [tilespmem:v6+s17+$0x0], $0xffff  }
0x16d: {  	v8 =	vld [tilespmem:s28+$0x0]  }
0x16e: {  	v9 =	vld [tilespmem:s28+$0x10]  }
0x16f: {  	v10 =	vld [tilespmem:s28+$0x20]  }
0x170: {  	v11 =	vld [tilespmem:s28+$0x30]  }
0x171: {  	s25 =	sadd.s32 $0x100, s25;
	v12 =	vld [tilespmem:s28+$0x40]  }
0x172: {  	v13 =	vld [tilespmem:s28+$0x50];
	[tilespmem:s25+$0x70] =	vst v6  }
0x173: {  	v6 =	vld [tilespmem:s28+$0x60]  }
0x174: {  	v14 =	vld [tilespmem:s28+$0xFFFFFF80]  }
0x175: {  	v0 =	vld.idx.msk [tilespmem:v0+s17+$0x0], $0xffff  }
0x176: {  	v1 =	vld.idx.msk [tilespmem:v1+s17+$0x0], $0xffff  }
0x177: {  	v2 =	vld.idx.msk [tilespmem:v2+s17+$0x0], $0xffff  }
0x178: {  	v3 =	vld.idx.msk [tilespmem:v3+s17+$0x0], $0xffff  }
0x179: {  	v4 =	vld.idx.msk [tilespmem:v4+s17+$0x0], $0xffff  }
0x17a: {  	v5 =	vld.idx.msk [tilespmem:v5+s17+$0x0], $0xffff  }
0x17b: {  	[tilespmem:s25+$0xFFFFFF90] =	vst v0;
	v7 =	vld.idx.msk [tilespmem:v7+s17+$0x0], $0xffff  }
0x17c: {  	v14 =	vld.idx.msk [tilespmem:v14+s17+$0x0], $0xffff;
	[tilespmem:s25+$0xFFFFFFA0] =	vst v1  }
0x17d: {  	[tilespmem:s25+$0xFFFFFFB0] =	vst v2;
	v8 =	vld.idx.msk [tilespmem:v8+s17+$0x0], $0xffff  }
0x17e: {  	[tilespmem:s25+$0xFFFFFFC0] =	vst v3;
	v0 =	vld.idx.msk [tilespmem:v9+s17+$0x0], $0xffff  }
.Ltmp13:
0x17f: {  	[tilespmem:s25+$0xFFFFFFD0] =	vst v4;
	v1 =	vld.idx.msk [tilespmem:v10+s17+$0x0], $0xffff;
	(pc) =	sbr.rel @p0 .LBB2_15-.Ltmp13, $4  }
0x180: {  	[tilespmem:s25+$0xFFFFFFE0] =	vst v5;
	v2 =	vld.idx.msk [tilespmem:v11+s17+$0x0], $0xffff  }
0x181: {  	[tilespmem:s25+$0xFFFFFFF0] =	vst v7;
	v3 =	vld.idx.msk [tilespmem:v12+s17+$0x0], $0xffff  }
0x182: {  	[tilespmem:s25+$0xFFFFFF80] =	vst v14;
	v4 =	vld.idx.msk [tilespmem:v13+s17+$0x0], $0xffff  }
0x183: {  	s28 =	sadd.s32 $0x100, s28;
	[tilespmem:s25+$0x0] =	vst v8;
	v5 =	vld.idx.msk [tilespmem:v6+s17+$0x0], $0xffff  }
.Ltmp14:
0x184: {  	_ = 	snop;
	(pc) =	sbr.rel .LBB2_16-.Ltmp14, $1  }
0x185: {  	_ =	sdelay $0x3  }
.LBB2_19:
0x186: {  	_ =	sfence.sel $0x180000  }
0x187: {  	[bflag:$0x0] =	sbarrier.arrive $0xFFFF  }
0x188: {  	p0 =	sne.s32 s7, $0x0;
	_ =	strace $0x90000047  }
0x189: {  	s0 =	sadd.s32 @!p0 $0x100000, s2;
	[bflag:$0x2] =	sbarrier.arrive $0xFFFF  }
0x18a: {  	[sflag:s0] =	ssyncadd.tile.s32 @!p0 $0x1;
	_ =	shalt  }
.Lfunc_end2:
_tile_overlayer_lowered:
.L_overlay_start_2:
0x18b: {  	(tag) =	ssettag $0x2  }
0x18c: {  	s0 =	rddreg [dreg:$0x0];
	s2 =	stileid.u32  }
0x18d: {  	s1 =	rddreg [dreg:$0x1];
	p0 =	sne.s32 s2, $0x0  }
0x18e: {  	s3 =	rddreg [dreg:$0x2];
	[bflag:$0x3] =	sbarrier.arrive $0xFFFF;
	s2 =	simm.s32 @!p0 $0x1C01  }
0x18f: {  	[timem:s3], [sflag:s2] =	dma.local @!p0 [hbm:s0], s1  }
0x190: {  	s0 =	simm.s32 @!p0 $0x1  }
0x191: {  	_ =	swait.ge @!p0 [sflag:s0], s1  }
0x192: {  	s1 =	ssub.s32 @!p0 $0x0, s1;
	[sflag:s0] =	ssyncset.done @!p0 $0x0  }
0x193: {  	[sflag:s0] =	ssyncadd.s32 @!p0 s1  }
0x194: {  	[bflag:$0x3] =	sbarrier.arrive $0xFFFF  }
0x195: {  	_ =	shalt  }

</sc_bundles>
